<compile_context>
chip_gen: v7x
topology: tpu7x:2x2x1
jax: 0.10.2.dev20260603
libtpu: 0.0.44.dev20260713+nightly
codegen_flags: <defaults>
</compile_context>

<pallas_src>
import functools

import jax
import jax.numpy as jnp
from jax import lax
from jax.experimental import pallas as pl
from jax.experimental.pallas import tpu as pltpu
from jax.experimental.pallas import tpu_sc as plsc

HIDDEN = 64
OUT = 128
NW = 32
C = 128



def _tile_proj_body(tt, w, o):
    o[...] = jnp.dot(tt[...], w[...], preferred_element_type=jnp.float32)


def _tile_proj(tile_table, w_t):
    n = tile_table.shape[0]
    blk = 10000
    return pl.pallas_call(
        _tile_proj_body,
        grid=(n // blk,),
        in_specs=[pl.BlockSpec((blk, HIDDEN), lambda i: (i, 0)),
                  pl.BlockSpec((HIDDEN, OUT), lambda i: (0, 0))],
        out_specs=pl.BlockSpec((blk, OUT), lambda i: (i, 0)),
        out_shape=jax.ShapeDtypeStruct((n, OUT), jnp.float32),
    )(tile_table, w_t)


def _colrow_body(wd, col, row, wc, wr, b, o):
    hd = row.shape[0]
    o[0:wd] = jnp.dot(col[...], wc[...], preferred_element_type=jnp.float32)
    o[wd:wd + hd] = (
        jnp.dot(row[...], wr[...], preferred_element_type=jnp.float32)
        + b[...])


def _colrow_proj(col_table, row_table, wc, wr, b):
    wd, hd = col_table.shape[0], row_table.shape[0]
    return pl.pallas_call(
        functools.partial(_colrow_body, wd),
        out_shape=jax.ShapeDtypeStruct((wd + hd, OUT), jnp.float32),
    )(col_table, row_table, wc, wr, b.reshape(1, OUT))


def _idx_body(wd, t, x, y, o):
    o[:, 0, :] = t[...]
    o[:, 1, :] = x[...]
    o[:, 2, :] = y[...] + wd


def _idx_pack(tile_f, x_f, y_f, wd, nchunks):
    blk = 256
    return pl.pallas_call(
        functools.partial(_idx_body, wd),
        grid=(nchunks // blk,),
        in_specs=[pl.BlockSpec((blk, C), lambda i: (i, 0))] * 3,
        out_specs=pl.BlockSpec((blk, 3, C), lambda i: (i, 0, 0)),
        out_shape=jax.ShapeDtypeStruct((nchunks, 3, C), jnp.int32),
    )(tile_f.reshape(nchunks, C), x_f.reshape(nchunks, C),
      y_f.reshape(nchunks, C))



NBUF = 6


def _sc_body(chunks_pw, idx_hbm, tp_hbm, cr_hbm, out_hbm,
             ibuf, spt, *rest):
    wid = lax.axis_index("s") * 2 + lax.axis_index("c")
    c0 = wid * chunks_pw
    bufs = rest[:NBUF]
    sems = rest[NBUF:]
    isems, tsems = sems[0:NBUF], sems[NBUF:2 * NBUF]
    xsems, ysems = sems[2 * NBUF:3 * NBUF], sems[3 * NBUF:4 * NBUF]
    wsems = sems[4 * NBUF:5 * NBUF]

    @pl.when(lax.axis_index("s") == 0)
    def _():
        pltpu.sync_copy(cr_hbm, spt)
    plsc.subcore_barrier()

    def w_copy(g, j):
        return pltpu.make_async_copy(
            bufs[j], out_hbm.at[pl.ds((c0 + g) * C, C)], wsems[j])

    for s in range(NBUF):
        pltpu.async_copy(idx_hbm.at[c0 + s], ibuf.at[s], isems[s])

    def step(g, j):
        jm2, jm4 = (j - 2) % NBUF, (j - 4) % NBUF

        @pl.when((g >= NBUF) & (g < chunks_pw + NBUF))
        def _():
            w_copy(g - NBUF, j).wait()

        @pl.when(g < chunks_pw)
        def _():
            pltpu.make_async_copy(
                idx_hbm.at[c0 + g], ibuf.at[j], isems[j]).wait()
            pltpu.async_copy(tp_hbm.at[ibuf.at[j, 0]], bufs[j], tsems[j])

        @pl.when((g >= 2) & (g < chunks_pw + 2))
        def _():
            pltpu.make_async_copy(
                tp_hbm.at[ibuf.at[jm2, 0]], bufs[jm2], tsems[jm2]).wait()
            pltpu.async_copy(
                spt.at[ibuf.at[jm2, 1]], bufs[jm2], xsems[jm2], add=True)
            pltpu.async_copy(
                spt.at[ibuf.at[jm2, 2]], bufs[jm2], ysems[jm2], add=True)

        @pl.when((g >= 4) & (g < chunks_pw + 4))
        def _():
            pltpu.make_async_copy(
                spt.at[ibuf.at[jm4, 1]], bufs[jm4], xsems[jm4]).wait()
            pltpu.make_async_copy(
                spt.at[ibuf.at[jm4, 2]], bufs[jm4], ysems[jm4]).wait()
            pltpu.async_copy(
                bufs[jm4], out_hbm.at[pl.ds((c0 + g - 4) * C, C)], wsems[jm4])

            @pl.when(g + NBUF - 4 < chunks_pw)
            def _():
                pltpu.async_copy(
                    idx_hbm.at[c0 + g + NBUF - 4], ibuf.at[jm4], isems[jm4])

    def body(p, carry):
        for j in range(NBUF):
            step(NBUF * p + j, j)
        return carry
    lax.fori_loop(0, (chunks_pw + 2 * NBUF - 1) // NBUF, body, 0)


def _sc_call(idx3, tp, cr):
    nchunks = idx3.shape[0]
    tokens = nchunks * C
    mesh = plsc.VectorSubcoreMesh(core_axis_name="c", subcore_axis_name="s")
    kfn = pl.kernel(
        functools.partial(_sc_body, nchunks // NW),
        out_type=jax.ShapeDtypeStruct((tokens, OUT), jnp.float32),
        mesh=mesh,
        scratch_types=[
            pltpu.VMEM((NBUF, 3, C), jnp.int32),
            pltpu.VMEM_SHARED(cr.shape, jnp.float32),
        ]
        + [pltpu.VMEM((C, OUT), jnp.float32)] * NBUF
        + [pltpu.SemaphoreType.DMA] * (5 * NBUF),
    )
    return kfn(idx3, tp, cr)


def kernel(tile, x, y, tile_table, col_table, row_table, W, b):
    bsz, seq = tile.shape
    wd = col_table.shape[0]
    tp = _tile_proj(tile_table, W[:HIDDEN])
    cr = _colrow_proj(col_table, row_table, W[HIDDEN:2 * HIDDEN],
                      W[2 * HIDDEN:], b)
    nchunks = (bsz * seq) // C
    idx3 = _idx_pack(tile.reshape(-1), x.reshape(-1), y.reshape(-1),
                     wd, nchunks)
    out = _sc_call(idx3, tp, cr)
    return out.reshape(bsz, seq, OUT)

# --- scband reference (transcript-rebuilt; emitter-appended) ---
"""Pipeline reference for scband-encoder-embedding-89103391523026 (READ-ONLY COPY).

The authoritative reference and input builder live on the scoring server;
editing this copy changes nothing except your own understanding.
"""

import jax, jax.numpy as jnp
import numpy as np

TILE_CLASSES = 100000
WIDTH = 200
HEIGHT = 200
HIDDEN = 64
OUT = 128
B = 4096
L = 200

def setup_inputs(seed: int = 0) -> dict:
    key = jax.random.key(seed)
    ks = jax.random.split(key, 8)
    tile = jax.random.randint(ks[0], (B, L), 0, TILE_CLASSES, dtype=jnp.int64 if jax.config.jax_enable_x64 else jnp.int32).astype(jnp.int32)
    x = jax.random.randint(ks[1], (B, L), 0, WIDTH).astype(jnp.int32)
    y = jax.random.randint(ks[2], (B, L), 0, HEIGHT).astype(jnp.int32)
    tile_table = jax.random.normal(ks[3], (TILE_CLASSES, HIDDEN), dtype=jnp.float32)
    col_table = jax.random.normal(ks[4], (WIDTH, HIDDEN), dtype=jnp.float32)
    row_table = jax.random.normal(ks[5], (HEIGHT, HIDDEN), dtype=jnp.float32)
    W = jax.random.normal(ks[6], (HIDDEN * 3, OUT), dtype=jnp.float32) * (1.0 / np.sqrt(HIDDEN * 3))
    b = jax.random.normal(ks[7], (OUT,), dtype=jnp.float32) * 0.01
    return {"tile": tile, "x": x, "y": y, "tile_table": tile_table, "col_table": col_table, "row_table": row_table, "W": W, "b": b}

def reference(tile, x, y, tile_table, col_table, row_table, W, b):
    tile_embed = jnp.take(tile_table, tile, axis=0)
    col_embed = jnp.take(col_table, x, axis=0)
    row_embed = jnp.take(row_table, y, axis=0)
    embed = jnp.concatenate([tile_embed, col_embed, row_embed], axis=2)
    fused = embed @ W + b
    return fused

if __name__ == "__main__":
    import jax
    _d = setup_inputs()
    print(jax.jit(kernel)(*tuple(_d.values())))

</pallas_src>

<mosaic_0001>
#map = affine_map<(d0, d1) -> (0, 0, 0)>
#map1 = affine_map<(d0, d1) -> (0, 0)>
module attributes {stable_mosaic.version = 14 : i64} {
  func.func @_sc_body(%arg0: i32, %arg1: i32, %arg2: memref<6400x3x128xi32, #tpu.memory_space<hbm>>, %arg3: memref<100000x128xf32, #tpu.memory_space<hbm>>, %arg4: memref<400x128xf32, #tpu.memory_space<hbm>>, %arg5: memref<819200x128xf32, #tpu.memory_space<hbm>>, %arg6: memref<6x3x128xi32, #tpu.memory_space<vmem>>, %arg7: memref<400x128xf32, #tpu.memory_space<vmem_shared>>, %arg8: memref<128x128xf32, #tpu.memory_space<vmem>>, %arg9: memref<128x128xf32, #tpu.memory_space<vmem>>, %arg10: memref<128x128xf32, #tpu.memory_space<vmem>>, %arg11: memref<128x128xf32, #tpu.memory_space<vmem>>, %arg12: memref<128x128xf32, #tpu.memory_space<vmem>>, %arg13: memref<128x128xf32, #tpu.memory_space<vmem>>, %arg14: memref<!tpu.dma_semaphore, #tpu.memory_space<semaphore_mem>>, %arg15: memref<!tpu.dma_semaphore, #tpu.memory_space<semaphore_mem>>, %arg16: memref<!tpu.dma_semaphore, #tpu.memory_space<semaphore_mem>>, %arg17: memref<!tpu.dma_semaphore, #tpu.memory_space<semaphore_mem>>, %arg18: memref<!tpu.dma_semaphore, #tpu.memory_space<semaphore_mem>>, %arg19: memref<!tpu.dma_semaphore, #tpu.memory_space<semaphore_mem>>, %arg20: memref<!tpu.dma_semaphore, #tpu.memory_space<semaphore_mem>>, %arg21: memref<!tpu.dma_semaphore, #tpu.memory_space<semaphore_mem>>, %arg22: memref<!tpu.dma_semaphore, #tpu.memory_space<semaphore_mem>>, %arg23: memref<!tpu.dma_semaphore, #tpu.memory_space<semaphore_mem>>, %arg24: memref<!tpu.dma_semaphore, #tpu.memory_space<semaphore_mem>>, %arg25: memref<!tpu.dma_semaphore, #tpu.memory_space<semaphore_mem>>, %arg26: memref<!tpu.dma_semaphore, #tpu.memory_space<semaphore_mem>>, %arg27: memref<!tpu.dma_semaphore, #tpu.memory_space<semaphore_mem>>, %arg28: memref<!tpu.dma_semaphore, #tpu.memory_space<semaphore_mem>>, %arg29: memref<!tpu.dma_semaphore, #tpu.memory_space<semaphore_mem>>, %arg30: memref<!tpu.dma_semaphore, #tpu.memory_space<semaphore_mem>>, %arg31: memref<!tpu.dma_semaphore, #tpu.memory_space<semaphore_mem>>, %arg32: memref<!tpu.dma_semaphore, #tpu.memory_space<semaphore_mem>>, %arg33: memref<!tpu.dma_semaphore, #tpu.memory_space<semaphore_mem>>, %arg34: memref<!tpu.dma_semaphore, #tpu.memory_space<semaphore_mem>>, %arg35: memref<!tpu.dma_semaphore, #tpu.memory_space<semaphore_mem>>, %arg36: memref<!tpu.dma_semaphore, #tpu.memory_space<semaphore_mem>>, %arg37: memref<!tpu.dma_semaphore, #tpu.memory_space<semaphore_mem>>, %arg38: memref<!tpu.dma_semaphore, #tpu.memory_space<semaphore_mem>>, %arg39: memref<!tpu.dma_semaphore, #tpu.memory_space<semaphore_mem>>, %arg40: memref<!tpu.dma_semaphore, #tpu.memory_space<semaphore_mem>>, %arg41: memref<!tpu.dma_semaphore, #tpu.memory_space<semaphore_mem>>, %arg42: memref<!tpu.dma_semaphore, #tpu.memory_space<semaphore_mem>>, %arg43: memref<!tpu.dma_semaphore, #tpu.memory_space<semaphore_mem>>) attributes {dimension_semantics = [#tpu.dimension_semantics<core_parallel>, #tpu.dimension_semantics<subcore_parallel>], iteration_bounds = array<i64: 2, 16>, scalar_prefetch = 0 : i64, scratch_operands = 38 : i64, tpu.core_type = #tpu.core_type<sc_vector_subcore>, window_params = [{transform_indices = #map}, {transform_indices = #map1}, {transform_indices = #map1}, {transform_indices = #map1}]} {
    %mul3A = arith.constant 2 : i32
    %mul3A_0 = arith.muli %arg1, %mul3A : i32
    %add3A = arith.addi %mul3A_0, %arg0 : i32
    %mul3A_1 = arith.constant 200 : i32
    %mul3A_2 = arith.muli %add3A, %mul3A_1 : i32
    %eq3A = arith.constant 0 : i32
    %eq3A_3 = arith.cmpi eq, %arg1, %eq3A : i32
    %convert_element_type3A = arith.extui %eq3A_3 : i1 to i32
    %cond3A = arith.constant 0 : i32
    %cond3A_4 = arith.cmpi ne, %convert_element_type3A, %cond3A : i32
    scf.if %cond3A_4 {
      "tpu.region"() ({
        %run_scoped3A = tpu.sem_alloc : memref<!tpu.dma_semaphore, #tpu.memory_space<semaphore_mem>>
        tpu.enqueue_dma source(%arg4 : memref<400x128xf32, #tpu.memory_space<hbm>>) target(%arg7 : memref<400x128xf32, #tpu.memory_space<vmem_shared>>) target_semaphore(%run_scoped3A : memref<!tpu.dma_semaphore, #tpu.memory_space<semaphore_mem>>)
        tpu.wait_dma2 semaphore(%run_scoped3A : memref<!tpu.dma_semaphore, #tpu.memory_space<semaphore_mem>>) src(%arg4 : memref<400x128xf32, #tpu.memory_space<hbm>>) dst(%arg7 : memref<400x128xf32, #tpu.memory_space<vmem_shared>>)
        tpu.yield
      }) : () -> ()
    } else {
    }
    %barrier3A = arith.constant 0 : index
    tpu.barrier barrier_id(%barrier3A)
    %add3A_5 = arith.constant 0 : i32
    %add3A_6 = arith.addi %mul3A_2, %add3A_5 : i32
    %dma_start3A = arith.constant 0 : i32
    %dma_start3A_7 = arith.constant 0 : i32
    %dma_start3A_8 = arith.constant 0 : i32
    %dma_start3A_9 = tpu.memref_slice %arg6[%dma_start3A, %dma_start3A_7, %dma_start3A_8] : memref<6x3x128xi32, #tpu.memory_space<vmem>> -> memref<1x3x128xi32, #tpu.memory_space<vmem>>
    %dma_start3A_10 = tpu.memref_squeeze %dma_start3A_9 : memref<1x3x128xi32, #tpu.memory_space<vmem>> -> memref<3x128xi32, #tpu.memory_space<vmem>>
    %dma_start3A_11 = arith.constant 0 : i32
    %dma_start3A_12 = arith.constant 0 : i32
    %dma_start3A_13 = tpu.memref_slice %arg2[%add3A_6, %dma_start3A_11, %dma_start3A_12] : memref<6400x3x128xi32, #tpu.memory_space<hbm>> -> memref<1x3x128xi32, #tpu.memory_space<hbm>>
    %dma_start3A_14 = tpu.memref_squeeze %dma_start3A_13 : memref<1x3x128xi32, #tpu.memory_space<hbm>> -> memref<3x128xi32, #tpu.memory_space<hbm>>
    %dma_start3A_15 = arith.constant 0 : i32
    %dma_start3A_16 = arith.constant 0 : i32
    %dma_start3A_17 = tpu.memref_slice %arg6[%dma_start3A, %dma_start3A_15, %dma_start3A_16] : memref<6x3x128xi32, #tpu.memory_space<vmem>> -> memref<1x3x128xi32, #tpu.memory_space<vmem>>
    %dma_start3A_18 = tpu.memref_squeeze %dma_start3A_17 : memref<1x3x128xi32, #tpu.memory_space<vmem>> -> memref<3x128xi32, #tpu.memory_space<vmem>>
    %dma_start3A_19 = arith.constant 0 : i32
    %dma_start3A_20 = arith.constant 0 : i32
    %dma_start3A_21 = tpu.memref_slice %arg2[%add3A_6, %dma_start3A_19, %dma_start3A_20] : memref<6400x3x128xi32, #tpu.memory_space<hbm>> -> memref<1x3x128xi32, #tpu.memory_space<hbm>>
    %dma_start3A_22 = tpu.memref_squeeze %dma_start3A_21 : memref<1x3x128xi32, #tpu.memory_space<hbm>> -> memref<3x128xi32, #tpu.memory_space<hbm>>
    tpu.enqueue_dma source(%dma_start3A_22 : memref<3x128xi32, #tpu.memory_space<hbm>>) target(%dma_start3A_18 : memref<3x128xi32, #tpu.memory_space<vmem>>) target_semaphore(%arg14 : memref<!tpu.dma_semaphore, #tpu.memory_space<semaphore_mem>>)
    %add3A_23 = arith.constant 1 : i32
    %add3A_24 = arith.addi %mul3A_2, %add3A_23 : i32
    %dma_start3A_25 = arith.constant 1 : i32
    %dma_start3A_26 = arith.constant 0 : i32
    %dma_start3A_27 = arith.constant 0 : i32
    %dma_start3A_28 = tpu.memref_slice %arg6[%dma_start3A_25, %dma_start3A_26, %dma_start3A_27] : memref<6x3x128xi32, #tpu.memory_space<vmem>> -> memref<1x3x128xi32, #tpu.memory_space<vmem>>
    %dma_start3A_29 = tpu.memref_squeeze %dma_start3A_28 : memref<1x3x128xi32, #tpu.memory_space<vmem>> -> memref<3x128xi32, #tpu.memory_space<vmem>>
    %dma_start3A_30 = arith.constant 0 : i32
    %dma_start3A_31 = arith.constant 0 : i32
    %dma_start3A_32 = tpu.memref_slice %arg2[%add3A_24, %dma_start3A_30, %dma_start3A_31] : memref<6400x3x128xi32, #tpu.memory_space<hbm>> -> memref<1x3x128xi32, #tpu.memory_space<hbm>>
    %dma_start3A_33 = tpu.memref_squeeze %dma_start3A_32 : memref<1x3x128xi32, #tpu.memory_space<hbm>> -> memref<3x128xi32, #tpu.memory_space<hbm>>
    %dma_start3A_34 = arith.constant 0 : i32
    %dma_start3A_35 = arith.constant 0 : i32
    %dma_start3A_36 = tpu.memref_slice %arg6[%dma_start3A_25, %dma_start3A_34, %dma_start3A_35] : memref<6x3x128xi32, #tpu.memory_space<vmem>> -> memref<1x3x128xi32, #tpu.memory_space<vmem>>
    %dma_start3A_37 = tpu.memref_squeeze %dma_start3A_36 : memref<1x3x128xi32, #tpu.memory_space<vmem>> -> memref<3x128xi32, #tpu.memory_space<vmem>>
    %dma_start3A_38 = arith.constant 0 : i32
    %dma_start3A_39 = arith.constant 0 : i32
    %dma_start3A_40 = tpu.memref_slice %arg2[%add3A_24, %dma_start3A_38, %dma_start3A_39] : memref<6400x3x128xi32, #tpu.memory_space<hbm>> -> memref<1x3x128xi32, #tpu.memory_space<hbm>>
    %dma_start3A_41 = tpu.memref_squeeze %dma_start3A_40 : memref<1x3x128xi32, #tpu.memory_space<hbm>> -> memref<3x128xi32, #tpu.memory_space<hbm>>
    tpu.enqueue_dma source(%dma_start3A_41 : memref<3x128xi32, #tpu.memory_space<hbm>>) target(%dma_start3A_37 : memref<3x128xi32, #tpu.memory_space<vmem>>) target_semaphore(%arg15 : memref<!tpu.dma_semaphore, #tpu.memory_space<semaphore_mem>>)
    %add3A_42 = arith.constant 2 : i32
    %add3A_43 = arith.addi %mul3A_2, %add3A_42 : i32
    %dma_start3A_44 = arith.constant 2 : i32
    %dma_start3A_45 = arith.constant 0 : i32
    %dma_start3A_46 = arith.constant 0 : i32
    %dma_start3A_47 = tpu.memref_slice %arg6[%dma_start3A_44, %dma_start3A_45, %dma_start3A_46] : memref<6x3x128xi32, #tpu.memory_space<vmem>> -> memref<1x3x128xi32, #tpu.memory_space<vmem>>
    %dma_start3A_48 = tpu.memref_squeeze %dma_start3A_47 : memref<1x3x128xi32, #tpu.memory_space<vmem>> -> memref<3x128xi32, #tpu.memory_space<vmem>>
    %dma_start3A_49 = arith.constant 0 : i32
    %dma_start3A_50 = arith.constant 0 : i32
    %dma_start3A_51 = tpu.memref_slice %arg2[%add3A_43, %dma_start3A_49, %dma_start3A_50] : memref<6400x3x128xi32, #tpu.memory_space<hbm>> -> memref<1x3x128xi32, #tpu.memory_space<hbm>>
    %dma_start3A_52 = tpu.memref_squeeze %dma_start3A_51 : memref<1x3x128xi32, #tpu.memory_space<hbm>> -> memref<3x128xi32, #tpu.memory_space<hbm>>
    %dma_start3A_53 = arith.constant 0 : i32
    %dma_start3A_54 = arith.constant 0 : i32
    %dma_start3A_55 = tpu.memref_slice %arg6[%dma_start3A_44, %dma_start3A_53, %dma_start3A_54] : memref<6x3x128xi32, #tpu.memory_space<vmem>> -> memref<1x3x128xi32, #tpu.memory_space<vmem>>
    %dma_start3A_56 = tpu.memref_squeeze %dma_start3A_55 : memref<1x3x128xi32, #tpu.memory_space<vmem>> -> memref<3x128xi32, #tpu.memory_space<vmem>>
    %dma_start3A_57 = arith.constant 0 : i32
    %dma_start3A_58 = arith.constant 0 : i32
    %dma_start3A_59 = tpu.memref_slice %arg2[%add3A_43, %dma_start3A_57, %dma_start3A_58] : memref<6400x3x128xi32, #tpu.memory_space<hbm>> -> memref<1x3x128xi32, #tpu.memory_space<hbm>>
    %dma_start3A_60 = tpu.memref_squeeze %dma_start3A_59 : memref<1x3x128xi32, #tpu.memory_space<hbm>> -> memref<3x128xi32, #tpu.memory_space<hbm>>
    tpu.enqueue_dma source(%dma_start3A_60 : memref<3x128xi32, #tpu.memory_space<hbm>>) target(%dma_start3A_56 : memref<3x128xi32, #tpu.memory_space<vmem>>) target_semaphore(%arg16 : memref<!tpu.dma_semaphore, #tpu.memory_space<semaphore_mem>>)
    %add3A_61 = arith.constant 3 : i32
    %add3A_62 = arith.addi %mul3A_2, %add3A_61 : i32
    %dma_start3A_63 = arith.constant 3 : i32
    %dma_start3A_64 = arith.constant 0 : i32
    %dma_start3A_65 = arith.constant 0 : i32
    %dma_start3A_66 = tpu.memref_slice %arg6[%dma_start3A_63, %dma_start3A_64, %dma_start3A_65] : memref<6x3x128xi32, #tpu.memory_space<vmem>> -> memref<1x3x128xi32, #tpu.memory_space<vmem>>
    %dma_start3A_67 = tpu.memref_squeeze %dma_start3A_66 : memref<1x3x128xi32, #tpu.memory_space<vmem>> -> memref<3x128xi32, #tpu.memory_space<vmem>>
    %dma_start3A_68 = arith.constant 0 : i32
    %dma_start3A_69 = arith.constant 0 : i32
    %dma_start3A_70 = tpu.memref_slice %arg2[%add3A_62, %dma_start3A_68, %dma_start3A_69] : memref<6400x3x128xi32, #tpu.memory_space<hbm>> -> memref<1x3x128xi32, #tpu.memory_space<hbm>>
    %dma_start3A_71 = tpu.memref_squeeze %dma_start3A_70 : memref<1x3x128xi32, #tpu.memory_space<hbm>> -> memref<3x128xi32, #tpu.memory_space<hbm>>
    %dma_start3A_72 = arith.constant 0 : i32
    %dma_start3A_73 = arith.constant 0 : i32
    %dma_start3A_74 = tpu.memref_slice %arg6[%dma_start3A_63, %dma_start3A_72, %dma_start3A_73] : memref<6x3x128xi32, #tpu.memory_space<vmem>> -> memref<1x3x128xi32, #tpu.memory_space<vmem>>
    %dma_start3A_75 = tpu.memref_squeeze %dma_start3A_74 : memref<1x3x128xi32, #tpu.memory_space<vmem>> -> memref<3x128xi32, #tpu.memory_space<vmem>>
    %dma_start3A_76 = arith.constant 0 : i32
    %dma_start3A_77 = arith.constant 0 : i32
    %dma_start3A_78 = tpu.memref_slice %arg2[%add3A_62, %dma_start3A_76, %dma_start3A_77] : memref<6400x3x128xi32, #tpu.memory_space<hbm>> -> memref<1x3x128xi32, #tpu.memory_space<hbm>>
    %dma_start3A_79 = tpu.memref_squeeze %dma_start3A_78 : memref<1x3x128xi32, #tpu.memory_space<hbm>> -> memref<3x128xi32, #tpu.memory_space<hbm>>
    tpu.enqueue_dma source(%dma_start3A_79 : memref<3x128xi32, #tpu.memory_space<hbm>>) target(%dma_start3A_75 : memref<3x128xi32, #tpu.memory_space<vmem>>) target_semaphore(%arg17 : memref<!tpu.dma_semaphore, #tpu.memory_space<semaphore_mem>>)
    %add3A_80 = arith.constant 4 : i32
    %add3A_81 = arith.addi %mul3A_2, %add3A_80 : i32
    %dma_start3A_82 = arith.constant 4 : i32
    %dma_start3A_83 = arith.constant 0 : i32
    %dma_start3A_84 = arith.constant 0 : i32
    %dma_start3A_85 = tpu.memref_slice %arg6[%dma_start3A_82, %dma_start3A_83, %dma_start3A_84] : memref<6x3x128xi32, #tpu.memory_space<vmem>> -> memref<1x3x128xi32, #tpu.memory_space<vmem>>
    %dma_start3A_86 = tpu.memref_squeeze %dma_start3A_85 : memref<1x3x128xi32, #tpu.memory_space<vmem>> -> memref<3x128xi32, #tpu.memory_space<vmem>>
    %dma_start3A_87 = arith.constant 0 : i32
    %dma_start3A_88 = arith.constant 0 : i32
    %dma_start3A_89 = tpu.memref_slice %arg2[%add3A_81, %dma_start3A_87, %dma_start3A_88] : memref<6400x3x128xi32, #tpu.memory_space<hbm>> -> memref<1x3x128xi32, #tpu.memory_space<hbm>>
    %dma_start3A_90 = tpu.memref_squeeze %dma_start3A_89 : memref<1x3x128xi32, #tpu.memory_space<hbm>> -> memref<3x128xi32, #tpu.memory_space<hbm>>
    %dma_start3A_91 = arith.constant 0 : i32
    %dma_start3A_92 = arith.constant 0 : i32
    %dma_start3A_93 = tpu.memref_slice %arg6[%dma_start3A_82, %dma_start3A_91, %dma_start3A_92] : memref<6x3x128xi32, #tpu.memory_space<vmem>> -> memref<1x3x128xi32, #tpu.memory_space<vmem>>
    %dma_start3A_94 = tpu.memref_squeeze %dma_start3A_93 : memref<1x3x128xi32, #tpu.memory_space<vmem>> -> memref<3x128xi32, #tpu.memory_space<vmem>>
    %dma_start3A_95 = arith.constant 0 : i32
    %dma_start3A_96 = arith.constant 0 : i32
    %dma_start3A_97 = tpu.memref_slice %arg2[%add3A_81, %dma_start3A_95, %dma_start3A_96] : memref<6400x3x128xi32, #tpu.memory_space<hbm>> -> memref<1x3x128xi32, #tpu.memory_space<hbm>>
    %dma_start3A_98 = tpu.memref_squeeze %dma_start3A_97 : memref<1x3x128xi32, #tpu.memory_space<hbm>> -> memref<3x128xi32, #tpu.memory_space<hbm>>
    tpu.enqueue_dma source(%dma_start3A_98 : memref<3x128xi32, #tpu.memory_space<hbm>>) target(%dma_start3A_94 : memref<3x128xi32, #tpu.memory_space<vmem>>) target_semaphore(%arg18 : memref<!tpu.dma_semaphore, #tpu.memory_space<semaphore_mem>>)
    %add3A_99 = arith.constant 5 : i32
    %add3A_100 = arith.addi %mul3A_2, %add3A_99 : i32
    %dma_start3A_101 = arith.constant 5 : i32
    %dma_start3A_102 = arith.constant 0 : i32
    %dma_start3A_103 = arith.constant 0 : i32
    %dma_start3A_104 = tpu.memref_slice %arg6[%dma_start3A_101, %dma_start3A_102, %dma_start3A_103] : memref<6x3x128xi32, #tpu.memory_space<vmem>> -> memref<1x3x128xi32, #tpu.memory_space<vmem>>
    %dma_start3A_105 = tpu.memref_squeeze %dma_start3A_104 : memref<1x3x128xi32, #tpu.memory_space<vmem>> -> memref<3x128xi32, #tpu.memory_space<vmem>>
    %dma_start3A_106 = arith.constant 0 : i32
    %dma_start3A_107 = arith.constant 0 : i32
    %dma_start3A_108 = tpu.memref_slice %arg2[%add3A_100, %dma_start3A_106, %dma_start3A_107] : memref<6400x3x128xi32, #tpu.memory_space<hbm>> -> memref<1x3x128xi32, #tpu.memory_space<hbm>>
    %dma_start3A_109 = tpu.memref_squeeze %dma_start3A_108 : memref<1x3x128xi32, #tpu.memory_space<hbm>> -> memref<3x128xi32, #tpu.memory_space<hbm>>
    %dma_start3A_110 = arith.constant 0 : i32
    %dma_start3A_111 = arith.constant 0 : i32
    %dma_start3A_112 = tpu.memref_slice %arg6[%dma_start3A_101, %dma_start3A_110, %dma_start3A_111] : memref<6x3x128xi32, #tpu.memory_space<vmem>> -> memref<1x3x128xi32, #tpu.memory_space<vmem>>
    %dma_start3A_113 = tpu.memref_squeeze %dma_start3A_112 : memref<1x3x128xi32, #tpu.memory_space<vmem>> -> memref<3x128xi32, #tpu.memory_space<vmem>>
    %dma_start3A_114 = arith.constant 0 : i32
    %dma_start3A_115 = arith.constant 0 : i32
    %dma_start3A_116 = tpu.memref_slice %arg2[%add3A_100, %dma_start3A_114, %dma_start3A_115] : memref<6400x3x128xi32, #tpu.memory_space<hbm>> -> memref<1x3x128xi32, #tpu.memory_space<hbm>>
    %dma_start3A_117 = tpu.memref_squeeze %dma_start3A_116 : memref<1x3x128xi32, #tpu.memory_space<hbm>> -> memref<3x128xi32, #tpu.memory_space<hbm>>
    tpu.enqueue_dma source(%dma_start3A_117 : memref<3x128xi32, #tpu.memory_space<hbm>>) target(%dma_start3A_113 : memref<3x128xi32, #tpu.memory_space<vmem>>) target_semaphore(%arg19 : memref<!tpu.dma_semaphore, #tpu.memory_space<semaphore_mem>>)
    %scan3A = arith.constant 0 : i32
    %scan3A_118 = arith.constant 0 : i32
    %scan3A_119 = arith.constant 35 : i32
    %scan3A_120 = arith.addi %scan3A_118, %scan3A_119 : i32
    %scan3A_121 = arith.constant 1 : i32
    scf.for %scan3A_123 = %scan3A_118 to %scan3A_120 step %scan3A_121  : i32 {
      %mul3A_124 = arith.constant 6 : i32
      %mul3A_125 = arith.muli %mul3A_124, %scan3A_123 : i32
      %add3A_126 = arith.constant 0 : i32
      %add3A_127 = arith.addi %mul3A_125, %add3A_126 : i32
      %ge3A = arith.constant 6 : i32
      %ge3A_128 = arith.cmpi sge, %add3A_127, %ge3A : i32
      %lt3A = arith.constant 206 : i32
      %lt3A_129 = arith.cmpi slt, %add3A_127, %lt3A : i32
      %and3A = arith.andi %ge3A_128, %lt3A_129 : i1
      %convert_element_type3A_130 = arith.extui %and3A : i1 to i32
      %cond3A_131 = arith.constant 0 : i32
      %cond3A_132 = arith.cmpi ne, %convert_element_type3A_130, %cond3A_131 : i32
      scf.if %cond3A_132 {
        %sub3A = arith.constant 6 : i32
        %sub3A_319 = arith.subi %add3A_127, %sub3A : i32
        %add3A_320 = arith.addi %mul3A_2, %sub3A_319 : i32
        %mul3A_321 = arith.constant 128 : i32
        %mul3A_322 = arith.muli %add3A_320, %mul3A_321 : i32
        %dma_wait3A = arith.constant 0 : i32
        %dma_wait3A_323 = tpu.memref_slice %arg5[%mul3A_322, %dma_wait3A] : memref<819200x128xf32, #tpu.memory_space<hbm>> -> memref<128x128xf32, #tpu.memory_space<hbm>>
        %dma_wait3A_324 = arith.constant 0 : i32
        %dma_wait3A_325 = tpu.memref_slice %arg5[%mul3A_322, %dma_wait3A_324] : memref<819200x128xf32, #tpu.memory_space<hbm>> -> memref<128x128xf32, #tpu.memory_space<hbm>>
        tpu.wait_dma2 semaphore(%arg38 : memref<!tpu.dma_semaphore, #tpu.memory_space<semaphore_mem>>) src(%arg8 : memref<128x128xf32, #tpu.memory_space<vmem>>) dst(%dma_wait3A_325 : memref<128x128xf32, #tpu.memory_space<hbm>>)
      } else {
      }
      %lt3A_133 = arith.constant 200 : i32
      %lt3A_134 = arith.cmpi slt, %add3A_127, %lt3A_133 : i32
      %convert_element_type3A_135 = arith.extui %lt3A_134 : i1 to i32
      %cond3A_136 = arith.constant 0 : i32
      %cond3A_137 = arith.cmpi ne, %convert_element_type3A_135, %cond3A_136 : i32
      scf.if %cond3A_137 {
        %add3A_319 = arith.addi %mul3A_2, %add3A_127 : i32
        %dma_wait3A = arith.constant 0 : i32
        %dma_wait3A_320 = arith.constant 0 : i32
        %dma_wait3A_321 = arith.constant 0 : i32
        %dma_wait3A_322 = tpu.memref_slice %arg6[%dma_wait3A, %dma_wait3A_320, %dma_wait3A_321] : memref<6x3x128xi32, #tpu.memory_space<vmem>> -> memref<1x3x128xi32, #tpu.memory_space<vmem>>
        %dma_wait3A_323 = tpu.memref_squeeze %dma_wait3A_322 : memref<1x3x128xi32, #tpu.memory_space<vmem>> -> memref<3x128xi32, #tpu.memory_space<vmem>>
        %dma_wait3A_324 = arith.constant 0 : i32
        %dma_wait3A_325 = arith.constant 0 : i32
        %dma_wait3A_326 = tpu.memref_slice %arg2[%add3A_319, %dma_wait3A_324, %dma_wait3A_325] : memref<6400x3x128xi32, #tpu.memory_space<hbm>> -> memref<1x3x128xi32, #tpu.memory_space<hbm>>
        %dma_wait3A_327 = tpu.memref_squeeze %dma_wait3A_326 : memref<1x3x128xi32, #tpu.memory_space<hbm>> -> memref<3x128xi32, #tpu.memory_space<hbm>>
        %dma_wait3A_328 = arith.constant 0 : i32
        %dma_wait3A_329 = arith.constant 0 : i32
        %dma_wait3A_330 = tpu.memref_slice %arg6[%dma_wait3A, %dma_wait3A_328, %dma_wait3A_329] : memref<6x3x128xi32, #tpu.memory_space<vmem>> -> memref<1x3x128xi32, #tpu.memory_space<vmem>>
        %dma_wait3A_331 = tpu.memref_squeeze %dma_wait3A_330 : memref<1x3x128xi32, #tpu.memory_space<vmem>> -> memref<3x128xi32, #tpu.memory_space<vmem>>
        %dma_wait3A_332 = arith.constant 0 : i32
        %dma_wait3A_333 = arith.constant 0 : i32
        %dma_wait3A_334 = tpu.memref_slice %arg2[%add3A_319, %dma_wait3A_332, %dma_wait3A_333] : memref<6400x3x128xi32, #tpu.memory_space<hbm>> -> memref<1x3x128xi32, #tpu.memory_space<hbm>>
        %dma_wait3A_335 = tpu.memref_squeeze %dma_wait3A_334 : memref<1x3x128xi32, #tpu.memory_space<hbm>> -> memref<3x128xi32, #tpu.memory_space<hbm>>
        tpu.wait_dma2 semaphore(%arg14 : memref<!tpu.dma_semaphore, #tpu.memory_space<semaphore_mem>>) src(%dma_wait3A_335 : memref<3x128xi32, #tpu.memory_space<hbm>>) dst(%dma_wait3A_331 : memref<3x128xi32, #tpu.memory_space<vmem>>)
        %dma_start3A_336 = arith.constant 0 : i32
        %dma_start3A_337 = arith.constant 0 : i32
        %dma_start3A_338 = arith.constant 0 : i32
        %dma_start3A_339 = tpu.memref_slice %arg6[%dma_start3A_336, %dma_start3A_337, %dma_start3A_338] : memref<6x3x128xi32, #tpu.memory_space<vmem>> -> memref<1x1x128xi32, #tpu.memory_space<vmem>>
        %dma_start3A_340 = tpu.memref_squeeze %dma_start3A_339 : memref<1x1x128xi32, #tpu.memory_space<vmem>> -> memref<128xi32, #tpu.memory_space<vmem>>
        %dma_start3A_341 = arith.constant 0 : i32
        %dma_start3A_342 = arith.constant 0 : i32
        %dma_start3A_343 = tpu.memref_slice %arg3[%dma_start3A_341, %dma_start3A_342] : memref<100000x128xf32, #tpu.memory_space<hbm>> -> memref<100000x128xf32, #tpu.memory_space<hbm>>
        tpu.enqueue_indirect_dma source(%dma_start3A_343 : memref<100000x128xf32, #tpu.memory_space<hbm>>) target(%arg8 : memref<128x128xf32, #tpu.memory_space<vmem>>) offsets(%dma_start3A_340 : memref<128xi32, #tpu.memory_space<vmem>>) semaphore(%arg20 : memref<!tpu.dma_semaphore, #tpu.memory_space<semaphore_mem>>)
      } else {
      }
      %ge3A_138 = arith.constant 2 : i32
      %ge3A_139 = arith.cmpi sge, %add3A_127, %ge3A_138 : i32
      %lt3A_140 = arith.constant 202 : i32
      %lt3A_141 = arith.cmpi slt, %add3A_127, %lt3A_140 : i32
      %and3A_142 = arith.andi %ge3A_139, %lt3A_141 : i1
      %convert_element_type3A_143 = arith.extui %and3A_142 : i1 to i32
      %cond3A_144 = arith.constant 0 : i32
      %cond3A_145 = arith.cmpi ne, %convert_element_type3A_143, %cond3A_144 : i32
      scf.if %cond3A_145 {
        %dma_wait3A = arith.constant 4 : i32
        %dma_wait3A_319 = arith.constant 0 : i32
        %dma_wait3A_320 = arith.constant 0 : i32
        %dma_wait3A_321 = tpu.memref_slice %arg6[%dma_wait3A, %dma_wait3A_319, %dma_wait3A_320] : memref<6x3x128xi32, #tpu.memory_space<vmem>> -> memref<1x1x128xi32, #tpu.memory_space<vmem>>
        %dma_wait3A_322 = tpu.memref_squeeze %dma_wait3A_321 : memref<1x1x128xi32, #tpu.memory_space<vmem>> -> memref<128xi32, #tpu.memory_space<vmem>>
        %dma_wait3A_323 = arith.constant 0 : i32
        %dma_wait3A_324 = arith.constant 0 : i32
        %dma_wait3A_325 = tpu.memref_slice %arg3[%dma_wait3A_323, %dma_wait3A_324] : memref<100000x128xf32, #tpu.memory_space<hbm>> -> memref<100000x128xf32, #tpu.memory_space<hbm>>
        tpu.wait_indirect_dma semaphore(%arg24 : memref<!tpu.dma_semaphore, #tpu.memory_space<semaphore_mem>>) src(%dma_wait3A_325 : memref<100000x128xf32, #tpu.memory_space<hbm>>) dst(%arg12 : memref<128x128xf32, #tpu.memory_space<vmem>>)
        %dma_start3A_326 = arith.constant 4 : i32
        %dma_start3A_327 = arith.constant 1 : i32
        %dma_start3A_328 = arith.constant 0 : i32
        %dma_start3A_329 = tpu.memref_slice %arg6[%dma_start3A_326, %dma_start3A_327, %dma_start3A_328] : memref<6x3x128xi32, #tpu.memory_space<vmem>> -> memref<1x1x128xi32, #tpu.memory_space<vmem>>
        %dma_start3A_330 = tpu.memref_squeeze %dma_start3A_329 : memref<1x1x128xi32, #tpu.memory_space<vmem>> -> memref<128xi32, #tpu.memory_space<vmem>>
        %dma_start3A_331 = arith.constant 0 : i32
        %dma_start3A_332 = arith.constant 0 : i32
        %dma_start3A_333 = tpu.memref_slice %arg7[%dma_start3A_331, %dma_start3A_332] : memref<400x128xf32, #tpu.memory_space<vmem_shared>> -> memref<400x128xf32, #tpu.memory_space<vmem_shared>>
        tpu.enqueue_indirect_dma source(%dma_start3A_333 : memref<400x128xf32, #tpu.memory_space<vmem_shared>>) target(%arg12 : memref<128x128xf32, #tpu.memory_space<vmem>>) offsets(%dma_start3A_330 : memref<128xi32, #tpu.memory_space<vmem>>) semaphore(%arg30 : memref<!tpu.dma_semaphore, #tpu.memory_space<semaphore_mem>>) {add = true}
        %dma_start3A_334 = arith.constant 4 : i32
        %dma_start3A_335 = arith.constant 2 : i32
        %dma_start3A_336 = arith.constant 0 : i32
        %dma_start3A_337 = tpu.memref_slice %arg6[%dma_start3A_334, %dma_start3A_335, %dma_start3A_336] : memref<6x3x128xi32, #tpu.memory_space<vmem>> -> memref<1x1x128xi32, #tpu.memory_space<vmem>>
        %dma_start3A_338 = tpu.memref_squeeze %dma_start3A_337 : memref<1x1x128xi32, #tpu.memory_space<vmem>> -> memref<128xi32, #tpu.memory_space<vmem>>
        %dma_start3A_339 = arith.constant 0 : i32
        %dma_start3A_340 = arith.constant 0 : i32
        %dma_start3A_341 = tpu.memref_slice %arg7[%dma_start3A_339, %dma_start3A_340] : memref<400x128xf32, #tpu.memory_space<vmem_shared>> -> memref<400x128xf32, #tpu.memory_space<vmem_shared>>
        tpu.enqueue_indirect_dma source(%dma_start3A_341 : memref<400x128xf32, #tpu.memory_space<vmem_shared>>) target(%arg12 : memref<128x128xf32, #tpu.memory_space<vmem>>) offsets(%dma_start3A_338 : memref<128xi32, #tpu.memory_space<vmem>>) semaphore(%arg36 : memref<!tpu.dma_semaphore, #tpu.memory_space<semaphore_mem>>) {add = true}
      } else {
      }
      %ge3A_146 = arith.constant 4 : i32
      %ge3A_147 = arith.cmpi sge, %add3A_127, %ge3A_146 : i32
      %lt3A_148 = arith.constant 204 : i32
      %lt3A_149 = arith.cmpi slt, %add3A_127, %lt3A_148 : i32
      %and3A_150 = arith.andi %ge3A_147, %lt3A_149 : i1
      %convert_element_type3A_151 = arith.extui %and3A_150 : i1 to i32
      %cond3A_152 = arith.constant 0 : i32
      %cond3A_153 = arith.cmpi ne, %convert_element_type3A_151, %cond3A_152 : i32
      scf.if %cond3A_153 {
        %dma_wait3A = arith.constant 2 : i32
        %dma_wait3A_319 = arith.constant 1 : i32
        %dma_wait3A_320 = arith.constant 0 : i32
        %dma_wait3A_321 = tpu.memref_slice %arg6[%dma_wait3A, %dma_wait3A_319, %dma_wait3A_320] : memref<6x3x128xi32, #tpu.memory_space<vmem>> -> memref<1x1x128xi32, #tpu.memory_space<vmem>>
        %dma_wait3A_322 = tpu.memref_squeeze %dma_wait3A_321 : memref<1x1x128xi32, #tpu.memory_space<vmem>> -> memref<128xi32, #tpu.memory_space<vmem>>
        %dma_wait3A_323 = arith.constant 0 : i32
        %dma_wait3A_324 = arith.constant 0 : i32
        %dma_wait3A_325 = tpu.memref_slice %arg7[%dma_wait3A_323, %dma_wait3A_324] : memref<400x128xf32, #tpu.memory_space<vmem_shared>> -> memref<400x128xf32, #tpu.memory_space<vmem_shared>>
        tpu.wait_indirect_dma semaphore(%arg28 : memref<!tpu.dma_semaphore, #tpu.memory_space<semaphore_mem>>) src(%dma_wait3A_325 : memref<400x128xf32, #tpu.memory_space<vmem_shared>>) dst(%arg10 : memref<128x128xf32, #tpu.memory_space<vmem>>)
        %dma_wait3A_326 = arith.constant 2 : i32
        %dma_wait3A_327 = arith.constant 2 : i32
        %dma_wait3A_328 = arith.constant 0 : i32
        %dma_wait3A_329 = tpu.memref_slice %arg6[%dma_wait3A_326, %dma_wait3A_327, %dma_wait3A_328] : memref<6x3x128xi32, #tpu.memory_space<vmem>> -> memref<1x1x128xi32, #tpu.memory_space<vmem>>
        %dma_wait3A_330 = tpu.memref_squeeze %dma_wait3A_329 : memref<1x1x128xi32, #tpu.memory_space<vmem>> -> memref<128xi32, #tpu.memory_space<vmem>>
        %dma_wait3A_331 = arith.constant 0 : i32
        %dma_wait3A_332 = arith.constant 0 : i32
        %dma_wait3A_333 = tpu.memref_slice %arg7[%dma_wait3A_331, %dma_wait3A_332] : memref<400x128xf32, #tpu.memory_space<vmem_shared>> -> memref<400x128xf32, #tpu.memory_space<vmem_shared>>
        tpu.wait_indirect_dma semaphore(%arg34 : memref<!tpu.dma_semaphore, #tpu.memory_space<semaphore_mem>>) src(%dma_wait3A_333 : memref<400x128xf32, #tpu.memory_space<vmem_shared>>) dst(%arg10 : memref<128x128xf32, #tpu.memory_space<vmem>>)
        %add3A_334 = arith.addi %mul3A_2, %add3A_127 : i32
        %sub3A = arith.constant 4 : i32
        %sub3A_335 = arith.subi %add3A_334, %sub3A : i32
        %mul3A_336 = arith.constant 128 : i32
        %mul3A_337 = arith.muli %sub3A_335, %mul3A_336 : i32
        %dma_start3A_338 = arith.constant 0 : i32
        %dma_start3A_339 = tpu.memref_slice %arg5[%mul3A_337, %dma_start3A_338] : memref<819200x128xf32, #tpu.memory_space<hbm>> -> memref<128x128xf32, #tpu.memory_space<hbm>>
        %dma_start3A_340 = arith.constant 0 : i32
        %dma_start3A_341 = tpu.memref_slice %arg5[%mul3A_337, %dma_start3A_340] : memref<819200x128xf32, #tpu.memory_space<hbm>> -> memref<128x128xf32, #tpu.memory_space<hbm>>
        tpu.enqueue_dma source(%arg10 : memref<128x128xf32, #tpu.memory_space<vmem>>) target(%dma_start3A_341 : memref<128x128xf32, #tpu.memory_space<hbm>>) target_semaphore(%arg40 : memref<!tpu.dma_semaphore, #tpu.memory_space<semaphore_mem>>)
        %add3A_342 = arith.constant 6 : i32
        %add3A_343 = arith.addi %add3A_127, %add3A_342 : i32
        %sub3A_344 = arith.constant 4 : i32
        %sub3A_345 = arith.subi %add3A_343, %sub3A_344 : i32
        %lt3A_346 = arith.constant 200 : i32
        %lt3A_347 = arith.cmpi slt, %sub3A_345, %lt3A_346 : i32
        %convert_element_type3A_348 = arith.extui %lt3A_347 : i1 to i32
        %cond3A_349 = arith.constant 0 : i32
        %cond3A_350 = arith.cmpi ne, %convert_element_type3A_348, %cond3A_349 : i32
        scf.if %cond3A_350 {
          %add3A_351 = arith.addi %mul3A_2, %add3A_127 : i32
          %add3A_352 = arith.constant 6 : i32
          %add3A_353 = arith.addi %add3A_351, %add3A_352 : i32
          %sub3A_354 = arith.constant 4 : i32
          %sub3A_355 = arith.subi %add3A_353, %sub3A_354 : i32
          %dma_start3A_356 = arith.constant 2 : i32
          %dma_start3A_357 = arith.constant 0 : i32
          %dma_start3A_358 = arith.constant 0 : i32
          %dma_start3A_359 = tpu.memref_slice %arg6[%dma_start3A_356, %dma_start3A_357, %dma_start3A_358] : memref<6x3x128xi32, #tpu.memory_space<vmem>> -> memref<1x3x128xi32, #tpu.memory_space<vmem>>
          %dma_start3A_360 = tpu.memref_squeeze %dma_start3A_359 : memref<1x3x128xi32, #tpu.memory_space<vmem>> -> memref<3x128xi32, #tpu.memory_space<vmem>>
          %dma_start3A_361 = arith.constant 0 : i32
          %dma_start3A_362 = arith.constant 0 : i32
          %dma_start3A_363 = tpu.memref_slice %arg2[%sub3A_355, %dma_start3A_361, %dma_start3A_362] : memref<6400x3x128xi32, #tpu.memory_space<hbm>> -> memref<1x3x128xi32, #tpu.memory_space<hbm>>
          %dma_start3A_364 = tpu.memref_squeeze %dma_start3A_363 : memref<1x3x128xi32, #tpu.memory_space<hbm>> -> memref<3x128xi32, #tpu.memory_space<hbm>>
          %dma_start3A_365 = arith.constant 0 : i32
          %dma_start3A_366 = arith.constant 0 : i32
          %dma_start3A_367 = tpu.memref_slice %arg6[%dma_start3A_356, %dma_start3A_365, %dma_start3A_366] : memref<6x3x128xi32, #tpu.memory_space<vmem>> -> memref<1x3x128xi32, #tpu.memory_space<vmem>>
          %dma_start3A_368 = tpu.memref_squeeze %dma_start3A_367 : memref<1x3x128xi32, #tpu.memory_space<vmem>> -> memref<3x128xi32, #tpu.memory_space<vmem>>
          %dma_start3A_369 = arith.constant 0 : i32
          %dma_start3A_370 = arith.constant 0 : i32
          %dma_start3A_371 = tpu.memref_slice %arg2[%sub3A_355, %dma_start3A_369, %dma_start3A_370] : memref<6400x3x128xi32, #tpu.memory_space<hbm>> -> memref<1x3x128xi32, #tpu.memory_space<hbm>>
          %dma_start3A_372 = tpu.memref_squeeze %dma_start3A_371 : memref<1x3x128xi32, #tpu.memory_space<hbm>> -> memref<3x128xi32, #tpu.memory_space<hbm>>
          tpu.enqueue_dma source(%dma_start3A_372 : memref<3x128xi32, #tpu.memory_space<hbm>>) target(%dma_start3A_368 : memref<3x128xi32, #tpu.memory_space<vmem>>) target_semaphore(%arg16 : memref<!tpu.dma_semaphore, #tpu.memory_space<semaphore_mem>>)
        } else {
        }
      } else {
      }
      %mul3A_154 = arith.constant 6 : i32
      %mul3A_155 = arith.muli %mul3A_154, %scan3A_123 : i32
      %add3A_156 = arith.constant 1 : i32
      %add3A_157 = arith.addi %mul3A_155, %add3A_156 : i32
      %ge3A_158 = arith.constant 6 : i32
      %ge3A_159 = arith.cmpi sge, %add3A_157, %ge3A_158 : i32
      %lt3A_160 = arith.constant 206 : i32
      %lt3A_161 = arith.cmpi slt, %add3A_157, %lt3A_160 : i32
      %and3A_162 = arith.andi %ge3A_159, %lt3A_161 : i1
      %convert_element_type3A_163 = arith.extui %and3A_162 : i1 to i32
      %cond3A_164 = arith.constant 0 : i32
      %cond3A_165 = arith.cmpi ne, %convert_element_type3A_163, %cond3A_164 : i32
      scf.if %cond3A_165 {
        %sub3A = arith.constant 6 : i32
        %sub3A_319 = arith.subi %add3A_157, %sub3A : i32
        %add3A_320 = arith.addi %mul3A_2, %sub3A_319 : i32
        %mul3A_321 = arith.constant 128 : i32
        %mul3A_322 = arith.muli %add3A_320, %mul3A_321 : i32
        %dma_wait3A = arith.constant 0 : i32
        %dma_wait3A_323 = tpu.memref_slice %arg5[%mul3A_322, %dma_wait3A] : memref<819200x128xf32, #tpu.memory_space<hbm>> -> memref<128x128xf32, #tpu.memory_space<hbm>>
        %dma_wait3A_324 = arith.constant 0 : i32
        %dma_wait3A_325 = tpu.memref_slice %arg5[%mul3A_322, %dma_wait3A_324] : memref<819200x128xf32, #tpu.memory_space<hbm>> -> memref<128x128xf32, #tpu.memory_space<hbm>>
        tpu.wait_dma2 semaphore(%arg39 : memref<!tpu.dma_semaphore, #tpu.memory_space<semaphore_mem>>) src(%arg9 : memref<128x128xf32, #tpu.memory_space<vmem>>) dst(%dma_wait3A_325 : memref<128x128xf32, #tpu.memory_space<hbm>>)
      } else {
      }
      %lt3A_166 = arith.constant 200 : i32
      %lt3A_167 = arith.cmpi slt, %add3A_157, %lt3A_166 : i32
      %convert_element_type3A_168 = arith.extui %lt3A_167 : i1 to i32
      %cond3A_169 = arith.constant 0 : i32
      %cond3A_170 = arith.cmpi ne, %convert_element_type3A_168, %cond3A_169 : i32
      scf.if %cond3A_170 {
        %add3A_319 = arith.addi %mul3A_2, %add3A_157 : i32
        %dma_wait3A = arith.constant 1 : i32
        %dma_wait3A_320 = arith.constant 0 : i32
        %dma_wait3A_321 = arith.constant 0 : i32
        %dma_wait3A_322 = tpu.memref_slice %arg6[%dma_wait3A, %dma_wait3A_320, %dma_wait3A_321] : memref<6x3x128xi32, #tpu.memory_space<vmem>> -> memref<1x3x128xi32, #tpu.memory_space<vmem>>
        %dma_wait3A_323 = tpu.memref_squeeze %dma_wait3A_322 : memref<1x3x128xi32, #tpu.memory_space<vmem>> -> memref<3x128xi32, #tpu.memory_space<vmem>>
        %dma_wait3A_324 = arith.constant 0 : i32
        %dma_wait3A_325 = arith.constant 0 : i32
        %dma_wait3A_326 = tpu.memref_slice %arg2[%add3A_319, %dma_wait3A_324, %dma_wait3A_325] : memref<6400x3x128xi32, #tpu.memory_space<hbm>> -> memref<1x3x128xi32, #tpu.memory_space<hbm>>
        %dma_wait3A_327 = tpu.memref_squeeze %dma_wait3A_326 : memref<1x3x128xi32, #tpu.memory_space<hbm>> -> memref<3x128xi32, #tpu.memory_space<hbm>>
        %dma_wait3A_328 = arith.constant 0 : i32
        %dma_wait3A_329 = arith.constant 0 : i32
        %dma_wait3A_330 = tpu.memref_slice %arg6[%dma_wait3A, %dma_wait3A_328, %dma_wait3A_329] : memref<6x3x128xi32, #tpu.memory_space<vmem>> -> memref<1x3x128xi32, #tpu.memory_space<vmem>>
        %dma_wait3A_331 = tpu.memref_squeeze %dma_wait3A_330 : memref<1x3x128xi32, #tpu.memory_space<vmem>> -> memref<3x128xi32, #tpu.memory_space<vmem>>
        %dma_wait3A_332 = arith.constant 0 : i32
        %dma_wait3A_333 = arith.constant 0 : i32
        %dma_wait3A_334 = tpu.memref_slice %arg2[%add3A_319, %dma_wait3A_332, %dma_wait3A_333] : memref<6400x3x128xi32, #tpu.memory_space<hbm>> -> memref<1x3x128xi32, #tpu.memory_space<hbm>>
        %dma_wait3A_335 = tpu.memref_squeeze %dma_wait3A_334 : memref<1x3x128xi32, #tpu.memory_space<hbm>> -> memref<3x128xi32, #tpu.memory_space<hbm>>
        tpu.wait_dma2 semaphore(%arg15 : memref<!tpu.dma_semaphore, #tpu.memory_space<semaphore_mem>>) src(%dma_wait3A_335 : memref<3x128xi32, #tpu.memory_space<hbm>>) dst(%dma_wait3A_331 : memref<3x128xi32, #tpu.memory_space<vmem>>)
        %dma_start3A_336 = arith.constant 1 : i32
        %dma_start3A_337 = arith.constant 0 : i32
        %dma_start3A_338 = arith.constant 0 : i32
        %dma_start3A_339 = tpu.memref_slice %arg6[%dma_start3A_336, %dma_start3A_337, %dma_start3A_338] : memref<6x3x128xi32, #tpu.memory_space<vmem>> -> memref<1x1x128xi32, #tpu.memory_space<vmem>>
        %dma_start3A_340 = tpu.memref_squeeze %dma_start3A_339 : memref<1x1x128xi32, #tpu.memory_space<vmem>> -> memref<128xi32, #tpu.memory_space<vmem>>
        %dma_start3A_341 = arith.constant 0 : i32
        %dma_start3A_342 = arith.constant 0 : i32
        %dma_start3A_343 = tpu.memref_slice %arg3[%dma_start3A_341, %dma_start3A_342] : memref<100000x128xf32, #tpu.memory_space<hbm>> -> memref<100000x128xf32, #tpu.memory_space<hbm>>
        tpu.enqueue_indirect_dma source(%dma_start3A_343 : memref<100000x128xf32, #tpu.memory_space<hbm>>) target(%arg9 : memref<128x128xf32, #tpu.memory_space<vmem>>) offsets(%dma_start3A_340 : memref<128xi32, #tpu.memory_space<vmem>>) semaphore(%arg21 : memref<!tpu.dma_semaphore, #tpu.memory_space<semaphore_mem>>)
      } else {
      }
      %ge3A_171 = arith.constant 2 : i32
      %ge3A_172 = arith.cmpi sge, %add3A_157, %ge3A_171 : i32
      %lt3A_173 = arith.constant 202 : i32
      %lt3A_174 = arith.cmpi slt, %add3A_157, %lt3A_173 : i32
      %and3A_175 = arith.andi %ge3A_172, %lt3A_174 : i1
      %convert_element_type3A_176 = arith.extui %and3A_175 : i1 to i32
      %cond3A_177 = arith.constant 0 : i32
      %cond3A_178 = arith.cmpi ne, %convert_element_type3A_176, %cond3A_177 : i32
      scf.if %cond3A_178 {
        %dma_wait3A = arith.constant 5 : i32
        %dma_wait3A_319 = arith.constant 0 : i32
        %dma_wait3A_320 = arith.constant 0 : i32
        %dma_wait3A_321 = tpu.memref_slice %arg6[%dma_wait3A, %dma_wait3A_319, %dma_wait3A_320] : memref<6x3x128xi32, #tpu.memory_space<vmem>> -> memref<1x1x128xi32, #tpu.memory_space<vmem>>
        %dma_wait3A_322 = tpu.memref_squeeze %dma_wait3A_321 : memref<1x1x128xi32, #tpu.memory_space<vmem>> -> memref<128xi32, #tpu.memory_space<vmem>>
        %dma_wait3A_323 = arith.constant 0 : i32
        %dma_wait3A_324 = arith.constant 0 : i32
        %dma_wait3A_325 = tpu.memref_slice %arg3[%dma_wait3A_323, %dma_wait3A_324] : memref<100000x128xf32, #tpu.memory_space<hbm>> -> memref<100000x128xf32, #tpu.memory_space<hbm>>
        tpu.wait_indirect_dma semaphore(%arg25 : memref<!tpu.dma_semaphore, #tpu.memory_space<semaphore_mem>>) src(%dma_wait3A_325 : memref<100000x128xf32, #tpu.memory_space<hbm>>) dst(%arg13 : memref<128x128xf32, #tpu.memory_space<vmem>>)
        %dma_start3A_326 = arith.constant 5 : i32
        %dma_start3A_327 = arith.constant 1 : i32
        %dma_start3A_328 = arith.constant 0 : i32
        %dma_start3A_329 = tpu.memref_slice %arg6[%dma_start3A_326, %dma_start3A_327, %dma_start3A_328] : memref<6x3x128xi32, #tpu.memory_space<vmem>> -> memref<1x1x128xi32, #tpu.memory_space<vmem>>
        %dma_start3A_330 = tpu.memref_squeeze %dma_start3A_329 : memref<1x1x128xi32, #tpu.memory_space<vmem>> -> memref<128xi32, #tpu.memory_space<vmem>>
        %dma_start3A_331 = arith.constant 0 : i32
        %dma_start3A_332 = arith.constant 0 : i32
        %dma_start3A_333 = tpu.memref_slice %arg7[%dma_start3A_331, %dma_start3A_332] : memref<400x128xf32, #tpu.memory_space<vmem_shared>> -> memref<400x128xf32, #tpu.memory_space<vmem_shared>>
        tpu.enqueue_indirect_dma source(%dma_start3A_333 : memref<400x128xf32, #tpu.memory_space<vmem_shared>>) target(%arg13 : memref<128x128xf32, #tpu.memory_space<vmem>>) offsets(%dma_start3A_330 : memref<128xi32, #tpu.memory_space<vmem>>) semaphore(%arg31 : memref<!tpu.dma_semaphore, #tpu.memory_space<semaphore_mem>>) {add = true}
        %dma_start3A_334 = arith.constant 5 : i32
        %dma_start3A_335 = arith.constant 2 : i32
        %dma_start3A_336 = arith.constant 0 : i32
        %dma_start3A_337 = tpu.memref_slice %arg6[%dma_start3A_334, %dma_start3A_335, %dma_start3A_336] : memref<6x3x128xi32, #tpu.memory_space<vmem>> -> memref<1x1x128xi32, #tpu.memory_space<vmem>>
        %dma_start3A_338 = tpu.memref_squeeze %dma_start3A_337 : memref<1x1x128xi32, #tpu.memory_space<vmem>> -> memref<128xi32, #tpu.memory_space<vmem>>
        %dma_start3A_339 = arith.constant 0 : i32
        %dma_start3A_340 = arith.constant 0 : i32
        %dma_start3A_341 = tpu.memref_slice %arg7[%dma_start3A_339, %dma_start3A_340] : memref<400x128xf32, #tpu.memory_space<vmem_shared>> -> memref<400x128xf32, #tpu.memory_space<vmem_shared>>
        tpu.enqueue_indirect_dma source(%dma_start3A_341 : memref<400x128xf32, #tpu.memory_space<vmem_shared>>) target(%arg13 : memref<128x128xf32, #tpu.memory_space<vmem>>) offsets(%dma_start3A_338 : memref<128xi32, #tpu.memory_space<vmem>>) semaphore(%arg37 : memref<!tpu.dma_semaphore, #tpu.memory_space<semaphore_mem>>) {add = true}
      } else {
      }
      %ge3A_179 = arith.constant 4 : i32
      %ge3A_180 = arith.cmpi sge, %add3A_157, %ge3A_179 : i32
      %lt3A_181 = arith.constant 204 : i32
      %lt3A_182 = arith.cmpi slt, %add3A_157, %lt3A_181 : i32
      %and3A_183 = arith.andi %ge3A_180, %lt3A_182 : i1
      %convert_element_type3A_184 = arith.extui %and3A_183 : i1 to i32
      %cond3A_185 = arith.constant 0 : i32
      %cond3A_186 = arith.cmpi ne, %convert_element_type3A_184, %cond3A_185 : i32
      scf.if %cond3A_186 {
        %dma_wait3A = arith.constant 3 : i32
        %dma_wait3A_319 = arith.constant 1 : i32
        %dma_wait3A_320 = arith.constant 0 : i32
        %dma_wait3A_321 = tpu.memref_slice %arg6[%dma_wait3A, %dma_wait3A_319, %dma_wait3A_320] : memref<6x3x128xi32, #tpu.memory_space<vmem>> -> memref<1x1x128xi32, #tpu.memory_space<vmem>>
        %dma_wait3A_322 = tpu.memref_squeeze %dma_wait3A_321 : memref<1x1x128xi32, #tpu.memory_space<vmem>> -> memref<128xi32, #tpu.memory_space<vmem>>
        %dma_wait3A_323 = arith.constant 0 : i32
        %dma_wait3A_324 = arith.constant 0 : i32
        %dma_wait3A_325 = tpu.memref_slice %arg7[%dma_wait3A_323, %dma_wait3A_324] : memref<400x128xf32, #tpu.memory_space<vmem_shared>> -> memref<400x128xf32, #tpu.memory_space<vmem_shared>>
        tpu.wait_indirect_dma semaphore(%arg29 : memref<!tpu.dma_semaphore, #tpu.memory_space<semaphore_mem>>) src(%dma_wait3A_325 : memref<400x128xf32, #tpu.memory_space<vmem_shared>>) dst(%arg11 : memref<128x128xf32, #tpu.memory_space<vmem>>)
        %dma_wait3A_326 = arith.constant 3 : i32
        %dma_wait3A_327 = arith.constant 2 : i32
        %dma_wait3A_328 = arith.constant 0 : i32
        %dma_wait3A_329 = tpu.memref_slice %arg6[%dma_wait3A_326, %dma_wait3A_327, %dma_wait3A_328] : memref<6x3x128xi32, #tpu.memory_space<vmem>> -> memref<1x1x128xi32, #tpu.memory_space<vmem>>
        %dma_wait3A_330 = tpu.memref_squeeze %dma_wait3A_329 : memref<1x1x128xi32, #tpu.memory_space<vmem>> -> memref<128xi32, #tpu.memory_space<vmem>>
        %dma_wait3A_331 = arith.constant 0 : i32
        %dma_wait3A_332 = arith.constant 0 : i32
        %dma_wait3A_333 = tpu.memref_slice %arg7[%dma_wait3A_331, %dma_wait3A_332] : memref<400x128xf32, #tpu.memory_space<vmem_shared>> -> memref<400x128xf32, #tpu.memory_space<vmem_shared>>
        tpu.wait_indirect_dma semaphore(%arg35 : memref<!tpu.dma_semaphore, #tpu.memory_space<semaphore_mem>>) src(%dma_wait3A_333 : memref<400x128xf32, #tpu.memory_space<vmem_shared>>) dst(%arg11 : memref<128x128xf32, #tpu.memory_space<vmem>>)
        %add3A_334 = arith.addi %mul3A_2, %add3A_157 : i32
        %sub3A = arith.constant 4 : i32
        %sub3A_335 = arith.subi %add3A_334, %sub3A : i32
        %mul3A_336 = arith.constant 128 : i32
        %mul3A_337 = arith.muli %sub3A_335, %mul3A_336 : i32
        %dma_start3A_338 = arith.constant 0 : i32
        %dma_start3A_339 = tpu.memref_slice %arg5[%mul3A_337, %dma_start3A_338] : memref<819200x128xf32, #tpu.memory_space<hbm>> -> memref<128x128xf32, #tpu.memory_space<hbm>>
        %dma_start3A_340 = arith.constant 0 : i32
        %dma_start3A_341 = tpu.memref_slice %arg5[%mul3A_337, %dma_start3A_340] : memref<819200x128xf32, #tpu.memory_space<hbm>> -> memref<128x128xf32, #tpu.memory_space<hbm>>
        tpu.enqueue_dma source(%arg11 : memref<128x128xf32, #tpu.memory_space<vmem>>) target(%dma_start3A_341 : memref<128x128xf32, #tpu.memory_space<hbm>>) target_semaphore(%arg41 : memref<!tpu.dma_semaphore, #tpu.memory_space<semaphore_mem>>)
        %add3A_342 = arith.constant 6 : i32
        %add3A_343 = arith.addi %add3A_157, %add3A_342 : i32
        %sub3A_344 = arith.constant 4 : i32
        %sub3A_345 = arith.subi %add3A_343, %sub3A_344 : i32
        %lt3A_346 = arith.constant 200 : i32
        %lt3A_347 = arith.cmpi slt, %sub3A_345, %lt3A_346 : i32
        %convert_element_type3A_348 = arith.extui %lt3A_347 : i1 to i32
        %cond3A_349 = arith.constant 0 : i32
        %cond3A_350 = arith.cmpi ne, %convert_element_type3A_348, %cond3A_349 : i32
        scf.if %cond3A_350 {
          %add3A_351 = arith.addi %mul3A_2, %add3A_157 : i32
          %add3A_352 = arith.constant 6 : i32
          %add3A_353 = arith.addi %add3A_351, %add3A_352 : i32
          %sub3A_354 = arith.constant 4 : i32
          %sub3A_355 = arith.subi %add3A_353, %sub3A_354 : i32
          %dma_start3A_356 = arith.constant 3 : i32
          %dma_start3A_357 = arith.constant 0 : i32
          %dma_start3A_358 = arith.constant 0 : i32
          %dma_start3A_359 = tpu.memref_slice %arg6[%dma_start3A_356, %dma_start3A_357, %dma_start3A_358] : memref<6x3x128xi32, #tpu.memory_space<vmem>> -> memref<1x3x128xi32, #tpu.memory_space<vmem>>
          %dma_start3A_360 = tpu.memref_squeeze %dma_start3A_359 : memref<1x3x128xi32, #tpu.memory_space<vmem>> -> memref<3x128xi32, #tpu.memory_space<vmem>>
          %dma_start3A_361 = arith.constant 0 : i32
          %dma_start3A_362 = arith.constant 0 : i32
          %dma_start3A_363 = tpu.memref_slice %arg2[%sub3A_355, %dma_start3A_361, %dma_start3A_362] : memref<6400x3x128xi32, #tpu.memory_space<hbm>> -> memref<1x3x128xi32, #tpu.memory_space<hbm>>
          %dma_start3A_364 = tpu.memref_squeeze %dma_start3A_363 : memref<1x3x128xi32, #tpu.memory_space<hbm>> -> memref<3x128xi32, #tpu.memory_space<hbm>>
          %dma_start3A_365 = arith.constant 0 : i32
          %dma_start3A_366 = arith.constant 0 : i32
          %dma_start3A_367 = tpu.memref_slice %arg6[%dma_start3A_356, %dma_start3A_365, %dma_start3A_366] : memref<6x3x128xi32, #tpu.memory_space<vmem>> -> memref<1x3x128xi32, #tpu.memory_space<vmem>>
          %dma_start3A_368 = tpu.memref_squeeze %dma_start3A_367 : memref<1x3x128xi32, #tpu.memory_space<vmem>> -> memref<3x128xi32, #tpu.memory_space<vmem>>
          %dma_start3A_369 = arith.constant 0 : i32
          %dma_start3A_370 = arith.constant 0 : i32
          %dma_start3A_371 = tpu.memref_slice %arg2[%sub3A_355, %dma_start3A_369, %dma_start3A_370] : memref<6400x3x128xi32, #tpu.memory_space<hbm>> -> memref<1x3x128xi32, #tpu.memory_space<hbm>>
          %dma_start3A_372 = tpu.memref_squeeze %dma_start3A_371 : memref<1x3x128xi32, #tpu.memory_space<hbm>> -> memref<3x128xi32, #tpu.memory_space<hbm>>
          tpu.enqueue_dma source(%dma_start3A_372 : memref<3x128xi32, #tpu.memory_space<hbm>>) target(%dma_start3A_368 : memref<3x128xi32, #tpu.memory_space<vmem>>) target_semaphore(%arg17 : memref<!tpu.dma_semaphore, #tpu.memory_space<semaphore_mem>>)
        } else {
        }
      } else {
      }
      %mul3A_187 = arith.constant 6 : i32
      %mul3A_188 = arith.muli %mul3A_187, %scan3A_123 : i32
      %add3A_189 = arith.constant 2 : i32
      %add3A_190 = arith.addi %mul3A_188, %add3A_189 : i32
      %ge3A_191 = arith.constant 6 : i32
      %ge3A_192 = arith.cmpi sge, %add3A_190, %ge3A_191 : i32
      %lt3A_193 = arith.constant 206 : i32
      %lt3A_194 = arith.cmpi slt, %add3A_190, %lt3A_193 : i32
      %and3A_195 = arith.andi %ge3A_192, %lt3A_194 : i1
      %convert_element_type3A_196 = arith.extui %and3A_195 : i1 to i32
      %cond3A_197 = arith.constant 0 : i32
      %cond3A_198 = arith.cmpi ne, %convert_element_type3A_196, %cond3A_197 : i32
      scf.if %cond3A_198 {
        %sub3A = arith.constant 6 : i32
        %sub3A_319 = arith.subi %add3A_190, %sub3A : i32
        %add3A_320 = arith.addi %mul3A_2, %sub3A_319 : i32
        %mul3A_321 = arith.constant 128 : i32
        %mul3A_322 = arith.muli %add3A_320, %mul3A_321 : i32
        %dma_wait3A = arith.constant 0 : i32
        %dma_wait3A_323 = tpu.memref_slice %arg5[%mul3A_322, %dma_wait3A] : memref<819200x128xf32, #tpu.memory_space<hbm>> -> memref<128x128xf32, #tpu.memory_space<hbm>>
        %dma_wait3A_324 = arith.constant 0 : i32
        %dma_wait3A_325 = tpu.memref_slice %arg5[%mul3A_322, %dma_wait3A_324] : memref<819200x128xf32, #tpu.memory_space<hbm>> -> memref<128x128xf32, #tpu.memory_space<hbm>>
        tpu.wait_dma2 semaphore(%arg40 : memref<!tpu.dma_semaphore, #tpu.memory_space<semaphore_mem>>) src(%arg10 : memref<128x128xf32, #tpu.memory_space<vmem>>) dst(%dma_wait3A_325 : memref<128x128xf32, #tpu.memory_space<hbm>>)
      } else {
      }
      %lt3A_199 = arith.constant 200 : i32
      %lt3A_200 = arith.cmpi slt, %add3A_190, %lt3A_199 : i32
      %convert_element_type3A_201 = arith.extui %lt3A_200 : i1 to i32
      %cond3A_202 = arith.constant 0 : i32
      %cond3A_203 = arith.cmpi ne, %convert_element_type3A_201, %cond3A_202 : i32
      scf.if %cond3A_203 {
        %add3A_319 = arith.addi %mul3A_2, %add3A_190 : i32
        %dma_wait3A = arith.constant 2 : i32
        %dma_wait3A_320 = arith.constant 0 : i32
        %dma_wait3A_321 = arith.constant 0 : i32
        %dma_wait3A_322 = tpu.memref_slice %arg6[%dma_wait3A, %dma_wait3A_320, %dma_wait3A_321] : memref<6x3x128xi32, #tpu.memory_space<vmem>> -> memref<1x3x128xi32, #tpu.memory_space<vmem>>
        %dma_wait3A_323 = tpu.memref_squeeze %dma_wait3A_322 : memref<1x3x128xi32, #tpu.memory_space<vmem>> -> memref<3x128xi32, #tpu.memory_space<vmem>>
        %dma_wait3A_324 = arith.constant 0 : i32
        %dma_wait3A_325 = arith.constant 0 : i32
        %dma_wait3A_326 = tpu.memref_slice %arg2[%add3A_319, %dma_wait3A_324, %dma_wait3A_325] : memref<6400x3x128xi32, #tpu.memory_space<hbm>> -> memref<1x3x128xi32, #tpu.memory_space<hbm>>
        %dma_wait3A_327 = tpu.memref_squeeze %dma_wait3A_326 : memref<1x3x128xi32, #tpu.memory_space<hbm>> -> memref<3x128xi32, #tpu.memory_space<hbm>>
        %dma_wait3A_328 = arith.constant 0 : i32
        %dma_wait3A_329 = arith.constant 0 : i32
        %dma_wait3A_330 = tpu.memref_slice %arg6[%dma_wait3A, %dma_wait3A_328, %dma_wait3A_329] : memref<6x3x128xi32, #tpu.memory_space<vmem>> -> memref<1x3x128xi32, #tpu.memory_space<vmem>>
        %dma_wait3A_331 = tpu.memref_squeeze %dma_wait3A_330 : memref<1x3x128xi32, #tpu.memory_space<vmem>> -> memref<3x128xi32, #tpu.memory_space<vmem>>
        %dma_wait3A_332 = arith.constant 0 : i32
        %dma_wait3A_333 = arith.constant 0 : i32
        %dma_wait3A_334 = tpu.memref_slice %arg2[%add3A_319, %dma_wait3A_332, %dma_wait3A_333] : memref<6400x3x128xi32, #tpu.memory_space<hbm>> -> memref<1x3x128xi32, #tpu.memory_space<hbm>>
        %dma_wait3A_335 = tpu.memref_squeeze %dma_wait3A_334 : memref<1x3x128xi32, #tpu.memory_space<hbm>> -> memref<3x128xi32, #tpu.memory_space<hbm>>
        tpu.wait_dma2 semaphore(%arg16 : memref<!tpu.dma_semaphore, #tpu.memory_space<semaphore_mem>>) src(%dma_wait3A_335 : memref<3x128xi32, #tpu.memory_space<hbm>>) dst(%dma_wait3A_331 : memref<3x128xi32, #tpu.memory_space<vmem>>)
        %dma_start3A_336 = arith.constant 2 : i32
        %dma_start3A_337 = arith.constant 0 : i32
        %dma_start3A_338 = arith.constant 0 : i32
        %dma_start3A_339 = tpu.memref_slice %arg6[%dma_start3A_336, %dma_start3A_337, %dma_start3A_338] : memref<6x3x128xi32, #tpu.memory_space<vmem>> -> memref<1x1x128xi32, #tpu.memory_space<vmem>>
        %dma_start3A_340 = tpu.memref_squeeze %dma_start3A_339 : memref<1x1x128xi32, #tpu.memory_space<vmem>> -> memref<128xi32, #tpu.memory_space<vmem>>
        %dma_start3A_341 = arith.constant 0 : i32
        %dma_start3A_342 = arith.constant 0 : i32
        %dma_start3A_343 = tpu.memref_slice %arg3[%dma_start3A_341, %dma_start3A_342] : memref<100000x128xf32, #tpu.memory_space<hbm>> -> memref<100000x128xf32, #tpu.memory_space<hbm>>
        tpu.enqueue_indirect_dma source(%dma_start3A_343 : memref<100000x128xf32, #tpu.memory_space<hbm>>) target(%arg10 : memref<128x128xf32, #tpu.memory_space<vmem>>) offsets(%dma_start3A_340 : memref<128xi32, #tpu.memory_space<vmem>>) semaphore(%arg22 : memref<!tpu.dma_semaphore, #tpu.memory_space<semaphore_mem>>)
      } else {
      }
      %ge3A_204 = arith.constant 2 : i32
      %ge3A_205 = arith.cmpi sge, %add3A_190, %ge3A_204 : i32
      %lt3A_206 = arith.constant 202 : i32
      %lt3A_207 = arith.cmpi slt, %add3A_190, %lt3A_206 : i32
      %and3A_208 = arith.andi %ge3A_205, %lt3A_207 : i1
      %convert_element_type3A_209 = arith.extui %and3A_208 : i1 to i32
      %cond3A_210 = arith.constant 0 : i32
      %cond3A_211 = arith.cmpi ne, %convert_element_type3A_209, %cond3A_210 : i32
      scf.if %cond3A_211 {
        %dma_wait3A = arith.constant 0 : i32
        %dma_wait3A_319 = arith.constant 0 : i32
        %dma_wait3A_320 = arith.constant 0 : i32
        %dma_wait3A_321 = tpu.memref_slice %arg6[%dma_wait3A, %dma_wait3A_319, %dma_wait3A_320] : memref<6x3x128xi32, #tpu.memory_space<vmem>> -> memref<1x1x128xi32, #tpu.memory_space<vmem>>
        %dma_wait3A_322 = tpu.memref_squeeze %dma_wait3A_321 : memref<1x1x128xi32, #tpu.memory_space<vmem>> -> memref<128xi32, #tpu.memory_space<vmem>>
        %dma_wait3A_323 = arith.constant 0 : i32
        %dma_wait3A_324 = arith.constant 0 : i32
        %dma_wait3A_325 = tpu.memref_slice %arg3[%dma_wait3A_323, %dma_wait3A_324] : memref<100000x128xf32, #tpu.memory_space<hbm>> -> memref<100000x128xf32, #tpu.memory_space<hbm>>
        tpu.wait_indirect_dma semaphore(%arg20 : memref<!tpu.dma_semaphore, #tpu.memory_space<semaphore_mem>>) src(%dma_wait3A_325 : memref<100000x128xf32, #tpu.memory_space<hbm>>) dst(%arg8 : memref<128x128xf32, #tpu.memory_space<vmem>>)
        %dma_start3A_326 = arith.constant 0 : i32
        %dma_start3A_327 = arith.constant 1 : i32
        %dma_start3A_328 = arith.constant 0 : i32
        %dma_start3A_329 = tpu.memref_slice %arg6[%dma_start3A_326, %dma_start3A_327, %dma_start3A_328] : memref<6x3x128xi32, #tpu.memory_space<vmem>> -> memref<1x1x128xi32, #tpu.memory_space<vmem>>
        %dma_start3A_330 = tpu.memref_squeeze %dma_start3A_329 : memref<1x1x128xi32, #tpu.memory_space<vmem>> -> memref<128xi32, #tpu.memory_space<vmem>>
        %dma_start3A_331 = arith.constant 0 : i32
        %dma_start3A_332 = arith.constant 0 : i32
        %dma_start3A_333 = tpu.memref_slice %arg7[%dma_start3A_331, %dma_start3A_332] : memref<400x128xf32, #tpu.memory_space<vmem_shared>> -> memref<400x128xf32, #tpu.memory_space<vmem_shared>>
        tpu.enqueue_indirect_dma source(%dma_start3A_333 : memref<400x128xf32, #tpu.memory_space<vmem_shared>>) target(%arg8 : memref<128x128xf32, #tpu.memory_space<vmem>>) offsets(%dma_start3A_330 : memref<128xi32, #tpu.memory_space<vmem>>) semaphore(%arg26 : memref<!tpu.dma_semaphore, #tpu.memory_space<semaphore_mem>>) {add = true}
        %dma_start3A_334 = arith.constant 0 : i32
        %dma_start3A_335 = arith.constant 2 : i32
        %dma_start3A_336 = arith.constant 0 : i32
        %dma_start3A_337 = tpu.memref_slice %arg6[%dma_start3A_334, %dma_start3A_335, %dma_start3A_336] : memref<6x3x128xi32, #tpu.memory_space<vmem>> -> memref<1x1x128xi32, #tpu.memory_space<vmem>>
        %dma_start3A_338 = tpu.memref_squeeze %dma_start3A_337 : memref<1x1x128xi32, #tpu.memory_space<vmem>> -> memref<128xi32, #tpu.memory_space<vmem>>
        %dma_start3A_339 = arith.constant 0 : i32
        %dma_start3A_340 = arith.constant 0 : i32
        %dma_start3A_341 = tpu.memref_slice %arg7[%dma_start3A_339, %dma_start3A_340] : memref<400x128xf32, #tpu.memory_space<vmem_shared>> -> memref<400x128xf32, #tpu.memory_space<vmem_shared>>
        tpu.enqueue_indirect_dma source(%dma_start3A_341 : memref<400x128xf32, #tpu.memory_space<vmem_shared>>) target(%arg8 : memref<128x128xf32, #tpu.memory_space<vmem>>) offsets(%dma_start3A_338 : memref<128xi32, #tpu.memory_space<vmem>>) semaphore(%arg32 : memref<!tpu.dma_semaphore, #tpu.memory_space<semaphore_mem>>) {add = true}
      } else {
      }
      %ge3A_212 = arith.constant 4 : i32
      %ge3A_213 = arith.cmpi sge, %add3A_190, %ge3A_212 : i32
      %lt3A_214 = arith.constant 204 : i32
      %lt3A_215 = arith.cmpi slt, %add3A_190, %lt3A_214 : i32
      %and3A_216 = arith.andi %ge3A_213, %lt3A_215 : i1
      %convert_element_type3A_217 = arith.extui %and3A_216 : i1 to i32
      %cond3A_218 = arith.constant 0 : i32
      %cond3A_219 = arith.cmpi ne, %convert_element_type3A_217, %cond3A_218 : i32
      scf.if %cond3A_219 {
        %dma_wait3A = arith.constant 4 : i32
        %dma_wait3A_319 = arith.constant 1 : i32
        %dma_wait3A_320 = arith.constant 0 : i32
        %dma_wait3A_321 = tpu.memref_slice %arg6[%dma_wait3A, %dma_wait3A_319, %dma_wait3A_320] : memref<6x3x128xi32, #tpu.memory_space<vmem>> -> memref<1x1x128xi32, #tpu.memory_space<vmem>>
        %dma_wait3A_322 = tpu.memref_squeeze %dma_wait3A_321 : memref<1x1x128xi32, #tpu.memory_space<vmem>> -> memref<128xi32, #tpu.memory_space<vmem>>
        %dma_wait3A_323 = arith.constant 0 : i32
        %dma_wait3A_324 = arith.constant 0 : i32
        %dma_wait3A_325 = tpu.memref_slice %arg7[%dma_wait3A_323, %dma_wait3A_324] : memref<400x128xf32, #tpu.memory_space<vmem_shared>> -> memref<400x128xf32, #tpu.memory_space<vmem_shared>>
        tpu.wait_indirect_dma semaphore(%arg30 : memref<!tpu.dma_semaphore, #tpu.memory_space<semaphore_mem>>) src(%dma_wait3A_325 : memref<400x128xf32, #tpu.memory_space<vmem_shared>>) dst(%arg12 : memref<128x128xf32, #tpu.memory_space<vmem>>)
        %dma_wait3A_326 = arith.constant 4 : i32
        %dma_wait3A_327 = arith.constant 2 : i32
        %dma_wait3A_328 = arith.constant 0 : i32
        %dma_wait3A_329 = tpu.memref_slice %arg6[%dma_wait3A_326, %dma_wait3A_327, %dma_wait3A_328] : memref<6x3x128xi32, #tpu.memory_space<vmem>> -> memref<1x1x128xi32, #tpu.memory_space<vmem>>
        %dma_wait3A_330 = tpu.memref_squeeze %dma_wait3A_329 : memref<1x1x128xi32, #tpu.memory_space<vmem>> -> memref<128xi32, #tpu.memory_space<vmem>>
        %dma_wait3A_331 = arith.constant 0 : i32
        %dma_wait3A_332 = arith.constant 0 : i32
        %dma_wait3A_333 = tpu.memref_slice %arg7[%dma_wait3A_331, %dma_wait3A_332] : memref<400x128xf32, #tpu.memory_space<vmem_shared>> -> memref<400x128xf32, #tpu.memory_space<vmem_shared>>
        tpu.wait_indirect_dma semaphore(%arg36 : memref<!tpu.dma_semaphore, #tpu.memory_space<semaphore_mem>>) src(%dma_wait3A_333 : memref<400x128xf32, #tpu.memory_space<vmem_shared>>) dst(%arg12 : memref<128x128xf32, #tpu.memory_space<vmem>>)
        %add3A_334 = arith.addi %mul3A_2, %add3A_190 : i32
        %sub3A = arith.constant 4 : i32
        %sub3A_335 = arith.subi %add3A_334, %sub3A : i32
        %mul3A_336 = arith.constant 128 : i32
        %mul3A_337 = arith.muli %sub3A_335, %mul3A_336 : i32
        %dma_start3A_338 = arith.constant 0 : i32
        %dma_start3A_339 = tpu.memref_slice %arg5[%mul3A_337, %dma_start3A_338] : memref<819200x128xf32, #tpu.memory_space<hbm>> -> memref<128x128xf32, #tpu.memory_space<hbm>>
        %dma_start3A_340 = arith.constant 0 : i32
        %dma_start3A_341 = tpu.memref_slice %arg5[%mul3A_337, %dma_start3A_340] : memref<819200x128xf32, #tpu.memory_space<hbm>> -> memref<128x128xf32, #tpu.memory_space<hbm>>
        tpu.enqueue_dma source(%arg12 : memref<128x128xf32, #tpu.memory_space<vmem>>) target(%dma_start3A_341 : memref<128x128xf32, #tpu.memory_space<hbm>>) target_semaphore(%arg42 : memref<!tpu.dma_semaphore, #tpu.memory_space<semaphore_mem>>)
        %add3A_342 = arith.constant 6 : i32
        %add3A_343 = arith.addi %add3A_190, %add3A_342 : i32
        %sub3A_344 = arith.constant 4 : i32
        %sub3A_345 = arith.subi %add3A_343, %sub3A_344 : i32
        %lt3A_346 = arith.constant 200 : i32
        %lt3A_347 = arith.cmpi slt, %sub3A_345, %lt3A_346 : i32
        %convert_element_type3A_348 = arith.extui %lt3A_347 : i1 to i32
        %cond3A_349 = arith.constant 0 : i32
        %cond3A_350 = arith.cmpi ne, %convert_element_type3A_348, %cond3A_349 : i32
        scf.if %cond3A_350 {
          %add3A_351 = arith.addi %mul3A_2, %add3A_190 : i32
          %add3A_352 = arith.constant 6 : i32
          %add3A_353 = arith.addi %add3A_351, %add3A_352 : i32
          %sub3A_354 = arith.constant 4 : i32
          %sub3A_355 = arith.subi %add3A_353, %sub3A_354 : i32
          %dma_start3A_356 = arith.constant 4 : i32
          %dma_start3A_357 = arith.constant 0 : i32
          %dma_start3A_358 = arith.constant 0 : i32
          %dma_start3A_359 = tpu.memref_slice %arg6[%dma_start3A_356, %dma_start3A_357, %dma_start3A_358] : memref<6x3x128xi32, #tpu.memory_space<vmem>> -> memref<1x3x128xi32, #tpu.memory_space<vmem>>
          %dma_start3A_360 = tpu.memref_squeeze %dma_start3A_359 : memref<1x3x128xi32, #tpu.memory_space<vmem>> -> memref<3x128xi32, #tpu.memory_space<vmem>>
          %dma_start3A_361 = arith.constant 0 : i32
          %dma_start3A_362 = arith.constant 0 : i32
          %dma_start3A_363 = tpu.memref_slice %arg2[%sub3A_355, %dma_start3A_361, %dma_start3A_362] : memref<6400x3x128xi32, #tpu.memory_space<hbm>> -> memref<1x3x128xi32, #tpu.memory_space<hbm>>
          %dma_start3A_364 = tpu.memref_squeeze %dma_start3A_363 : memref<1x3x128xi32, #tpu.memory_space<hbm>> -> memref<3x128xi32, #tpu.memory_space<hbm>>
          %dma_start3A_365 = arith.constant 0 : i32
          %dma_start3A_366 = arith.constant 0 : i32
          %dma_start3A_367 = tpu.memref_slice %arg6[%dma_start3A_356, %dma_start3A_365, %dma_start3A_366] : memref<6x3x128xi32, #tpu.memory_space<vmem>> -> memref<1x3x128xi32, #tpu.memory_space<vmem>>
          %dma_start3A_368 = tpu.memref_squeeze %dma_start3A_367 : memref<1x3x128xi32, #tpu.memory_space<vmem>> -> memref<3x128xi32, #tpu.memory_space<vmem>>
          %dma_start3A_369 = arith.constant 0 : i32
          %dma_start3A_370 = arith.constant 0 : i32
          %dma_start3A_371 = tpu.memref_slice %arg2[%sub3A_355, %dma_start3A_369, %dma_start3A_370] : memref<6400x3x128xi32, #tpu.memory_space<hbm>> -> memref<1x3x128xi32, #tpu.memory_space<hbm>>
          %dma_start3A_372 = tpu.memref_squeeze %dma_start3A_371 : memref<1x3x128xi32, #tpu.memory_space<hbm>> -> memref<3x128xi32, #tpu.memory_space<hbm>>
          tpu.enqueue_dma source(%dma_start3A_372 : memref<3x128xi32, #tpu.memory_space<hbm>>) target(%dma_start3A_368 : memref<3x128xi32, #tpu.memory_space<vmem>>) target_semaphore(%arg18 : memref<!tpu.dma_semaphore, #tpu.memory_space<semaphore_mem>>)
        } else {
        }
      } else {
      }
      %mul3A_220 = arith.constant 6 : i32
      %mul3A_221 = arith.muli %mul3A_220, %scan3A_123 : i32
      %add3A_222 = arith.constant 3 : i32
      %add3A_223 = arith.addi %mul3A_221, %add3A_222 : i32
      %ge3A_224 = arith.constant 6 : i32
      %ge3A_225 = arith.cmpi sge, %add3A_223, %ge3A_224 : i32
      %lt3A_226 = arith.constant 206 : i32
      %lt3A_227 = arith.cmpi slt, %add3A_223, %lt3A_226 : i32
      %and3A_228 = arith.andi %ge3A_225, %lt3A_227 : i1
      %convert_element_type3A_229 = arith.extui %and3A_228 : i1 to i32
      %cond3A_230 = arith.constant 0 : i32
      %cond3A_231 = arith.cmpi ne, %convert_element_type3A_229, %cond3A_230 : i32
      scf.if %cond3A_231 {
        %sub3A = arith.constant 6 : i32
        %sub3A_319 = arith.subi %add3A_223, %sub3A : i32
        %add3A_320 = arith.addi %mul3A_2, %sub3A_319 : i32
        %mul3A_321 = arith.constant 128 : i32
        %mul3A_322 = arith.muli %add3A_320, %mul3A_321 : i32
        %dma_wait3A = arith.constant 0 : i32
        %dma_wait3A_323 = tpu.memref_slice %arg5[%mul3A_322, %dma_wait3A] : memref<819200x128xf32, #tpu.memory_space<hbm>> -> memref<128x128xf32, #tpu.memory_space<hbm>>
        %dma_wait3A_324 = arith.constant 0 : i32
        %dma_wait3A_325 = tpu.memref_slice %arg5[%mul3A_322, %dma_wait3A_324] : memref<819200x128xf32, #tpu.memory_space<hbm>> -> memref<128x128xf32, #tpu.memory_space<hbm>>
        tpu.wait_dma2 semaphore(%arg41 : memref<!tpu.dma_semaphore, #tpu.memory_space<semaphore_mem>>) src(%arg11 : memref<128x128xf32, #tpu.memory_space<vmem>>) dst(%dma_wait3A_325 : memref<128x128xf32, #tpu.memory_space<hbm>>)
      } else {
      }
      %lt3A_232 = arith.constant 200 : i32
      %lt3A_233 = arith.cmpi slt, %add3A_223, %lt3A_232 : i32
      %convert_element_type3A_234 = arith.extui %lt3A_233 : i1 to i32
      %cond3A_235 = arith.constant 0 : i32
      %cond3A_236 = arith.cmpi ne, %convert_element_type3A_234, %cond3A_235 : i32
      scf.if %cond3A_236 {
        %add3A_319 = arith.addi %mul3A_2, %add3A_223 : i32
        %dma_wait3A = arith.constant 3 : i32
        %dma_wait3A_320 = arith.constant 0 : i32
        %dma_wait3A_321 = arith.constant 0 : i32
        %dma_wait3A_322 = tpu.memref_slice %arg6[%dma_wait3A, %dma_wait3A_320, %dma_wait3A_321] : memref<6x3x128xi32, #tpu.memory_space<vmem>> -> memref<1x3x128xi32, #tpu.memory_space<vmem>>
        %dma_wait3A_323 = tpu.memref_squeeze %dma_wait3A_322 : memref<1x3x128xi32, #tpu.memory_space<vmem>> -> memref<3x128xi32, #tpu.memory_space<vmem>>
        %dma_wait3A_324 = arith.constant 0 : i32
        %dma_wait3A_325 = arith.constant 0 : i32
        %dma_wait3A_326 = tpu.memref_slice %arg2[%add3A_319, %dma_wait3A_324, %dma_wait3A_325] : memref<6400x3x128xi32, #tpu.memory_space<hbm>> -> memref<1x3x128xi32, #tpu.memory_space<hbm>>
        %dma_wait3A_327 = tpu.memref_squeeze %dma_wait3A_326 : memref<1x3x128xi32, #tpu.memory_space<hbm>> -> memref<3x128xi32, #tpu.memory_space<hbm>>
        %dma_wait3A_328 = arith.constant 0 : i32
        %dma_wait3A_329 = arith.constant 0 : i32
        %dma_wait3A_330 = tpu.memref_slice %arg6[%dma_wait3A, %dma_wait3A_328, %dma_wait3A_329] : memref<6x3x128xi32, #tpu.memory_space<vmem>> -> memref<1x3x128xi32, #tpu.memory_space<vmem>>
        %dma_wait3A_331 = tpu.memref_squeeze %dma_wait3A_330 : memref<1x3x128xi32, #tpu.memory_space<vmem>> -> memref<3x128xi32, #tpu.memory_space<vmem>>
        %dma_wait3A_332 = arith.constant 0 : i32
        %dma_wait3A_333 = arith.constant 0 : i32
        %dma_wait3A_334 = tpu.memref_slice %arg2[%add3A_319, %dma_wait3A_332, %dma_wait3A_333] : memref<6400x3x128xi32, #tpu.memory_space<hbm>> -> memref<1x3x128xi32, #tpu.memory_space<hbm>>
        %dma_wait3A_335 = tpu.memref_squeeze %dma_wait3A_334 : memref<1x3x128xi32, #tpu.memory_space<hbm>> -> memref<3x128xi32, #tpu.memory_space<hbm>>
        tpu.wait_dma2 semaphore(%arg17 : memref<!tpu.dma_semaphore, #tpu.memory_space<semaphore_mem>>) src(%dma_wait3A_335 : memref<3x128xi32, #tpu.memory_space<hbm>>) dst(%dma_wait3A_331 : memref<3x128xi32, #tpu.memory_space<vmem>>)
        %dma_start3A_336 = arith.constant 3 : i32
        %dma_start3A_337 = arith.constant 0 : i32
        %dma_start3A_338 = arith.constant 0 : i32
        %dma_start3A_339 = tpu.memref_slice %arg6[%dma_start3A_336, %dma_start3A_337, %dma_start3A_338] : memref<6x3x128xi32, #tpu.memory_space<vmem>> -> memref<1x1x128xi32, #tpu.memory_space<vmem>>
        %dma_start3A_340 = tpu.memref_squeeze %dma_start3A_339 : memref<1x1x128xi32, #tpu.memory_space<vmem>> -> memref<128xi32, #tpu.memory_space<vmem>>
        %dma_start3A_341 = arith.constant 0 : i32
        %dma_start3A_342 = arith.constant 0 : i32
        %dma_start3A_343 = tpu.memref_slice %arg3[%dma_start3A_341, %dma_start3A_342] : memref<100000x128xf32, #tpu.memory_space<hbm>> -> memref<100000x128xf32, #tpu.memory_space<hbm>>
        tpu.enqueue_indirect_dma source(%dma_start3A_343 : memref<100000x128xf32, #tpu.memory_space<hbm>>) target(%arg11 : memref<128x128xf32, #tpu.memory_space<vmem>>) offsets(%dma_start3A_340 : memref<128xi32, #tpu.memory_space<vmem>>) semaphore(%arg23 : memref<!tpu.dma_semaphore, #tpu.memory_space<semaphore_mem>>)
      } else {
      }
      %ge3A_237 = arith.constant 2 : i32
      %ge3A_238 = arith.cmpi sge, %add3A_223, %ge3A_237 : i32
      %lt3A_239 = arith.constant 202 : i32
      %lt3A_240 = arith.cmpi slt, %add3A_223, %lt3A_239 : i32
      %and3A_241 = arith.andi %ge3A_238, %lt3A_240 : i1
      %convert_element_type3A_242 = arith.extui %and3A_241 : i1 to i32
      %cond3A_243 = arith.constant 0 : i32
      %cond3A_244 = arith.cmpi ne, %convert_element_type3A_242, %cond3A_243 : i32
      scf.if %cond3A_244 {
        %dma_wait3A = arith.constant 1 : i32
        %dma_wait3A_319 = arith.constant 0 : i32
        %dma_wait3A_320 = arith.constant 0 : i32
        %dma_wait3A_321 = tpu.memref_slice %arg6[%dma_wait3A, %dma_wait3A_319, %dma_wait3A_320] : memref<6x3x128xi32, #tpu.memory_space<vmem>> -> memref<1x1x128xi32, #tpu.memory_space<vmem>>
        %dma_wait3A_322 = tpu.memref_squeeze %dma_wait3A_321 : memref<1x1x128xi32, #tpu.memory_space<vmem>> -> memref<128xi32, #tpu.memory_space<vmem>>
        %dma_wait3A_323 = arith.constant 0 : i32
        %dma_wait3A_324 = arith.constant 0 : i32
        %dma_wait3A_325 = tpu.memref_slice %arg3[%dma_wait3A_323, %dma_wait3A_324] : memref<100000x128xf32, #tpu.memory_space<hbm>> -> memref<100000x128xf32, #tpu.memory_space<hbm>>
        tpu.wait_indirect_dma semaphore(%arg21 : memref<!tpu.dma_semaphore, #tpu.memory_space<semaphore_mem>>) src(%dma_wait3A_325 : memref<100000x128xf32, #tpu.memory_space<hbm>>) dst(%arg9 : memref<128x128xf32, #tpu.memory_space<vmem>>)
        %dma_start3A_326 = arith.constant 1 : i32
        %dma_start3A_327 = arith.constant 1 : i32
        %dma_start3A_328 = arith.constant 0 : i32
        %dma_start3A_329 = tpu.memref_slice %arg6[%dma_start3A_326, %dma_start3A_327, %dma_start3A_328] : memref<6x3x128xi32, #tpu.memory_space<vmem>> -> memref<1x1x128xi32, #tpu.memory_space<vmem>>
        %dma_start3A_330 = tpu.memref_squeeze %dma_start3A_329 : memref<1x1x128xi32, #tpu.memory_space<vmem>> -> memref<128xi32, #tpu.memory_space<vmem>>
        %dma_start3A_331 = arith.constant 0 : i32
        %dma_start3A_332 = arith.constant 0 : i32
        %dma_start3A_333 = tpu.memref_slice %arg7[%dma_start3A_331, %dma_start3A_332] : memref<400x128xf32, #tpu.memory_space<vmem_shared>> -> memref<400x128xf32, #tpu.memory_space<vmem_shared>>
        tpu.enqueue_indirect_dma source(%dma_start3A_333 : memref<400x128xf32, #tpu.memory_space<vmem_shared>>) target(%arg9 : memref<128x128xf32, #tpu.memory_space<vmem>>) offsets(%dma_start3A_330 : memref<128xi32, #tpu.memory_space<vmem>>) semaphore(%arg27 : memref<!tpu.dma_semaphore, #tpu.memory_space<semaphore_mem>>) {add = true}
        %dma_start3A_334 = arith.constant 1 : i32
        %dma_start3A_335 = arith.constant 2 : i32
        %dma_start3A_336 = arith.constant 0 : i32
        %dma_start3A_337 = tpu.memref_slice %arg6[%dma_start3A_334, %dma_start3A_335, %dma_start3A_336] : memref<6x3x128xi32, #tpu.memory_space<vmem>> -> memref<1x1x128xi32, #tpu.memory_space<vmem>>
        %dma_start3A_338 = tpu.memref_squeeze %dma_start3A_337 : memref<1x1x128xi32, #tpu.memory_space<vmem>> -> memref<128xi32, #tpu.memory_space<vmem>>
        %dma_start3A_339 = arith.constant 0 : i32
        %dma_start3A_340 = arith.constant 0 : i32
        %dma_start3A_341 = tpu.memref_slice %arg7[%dma_start3A_339, %dma_start3A_340] : memref<400x128xf32, #tpu.memory_space<vmem_shared>> -> memref<400x128xf32, #tpu.memory_space<vmem_shared>>
        tpu.enqueue_indirect_dma source(%dma_start3A_341 : memref<400x128xf32, #tpu.memory_space<vmem_shared>>) target(%arg9 : memref<128x128xf32, #tpu.memory_space<vmem>>) offsets(%dma_start3A_338 : memref<128xi32, #tpu.memory_space<vmem>>) semaphore(%arg33 : memref<!tpu.dma_semaphore, #tpu.memory_space<semaphore_mem>>) {add = true}
      } else {
      }
      %ge3A_245 = arith.constant 4 : i32
      %ge3A_246 = arith.cmpi sge, %add3A_223, %ge3A_245 : i32
      %lt3A_247 = arith.constant 204 : i32
      %lt3A_248 = arith.cmpi slt, %add3A_223, %lt3A_247 : i32
      %and3A_249 = arith.andi %ge3A_246, %lt3A_248 : i1
      %convert_element_type3A_250 = arith.extui %and3A_249 : i1 to i32
      %cond3A_251 = arith.constant 0 : i32
      %cond3A_252 = arith.cmpi ne, %convert_element_type3A_250, %cond3A_251 : i32
      scf.if %cond3A_252 {
        %dma_wait3A = arith.constant 5 : i32
        %dma_wait3A_319 = arith.constant 1 : i32
        %dma_wait3A_320 = arith.constant 0 : i32
        %dma_wait3A_321 = tpu.memref_slice %arg6[%dma_wait3A, %dma_wait3A_319, %dma_wait3A_320] : memref<6x3x128xi32, #tpu.memory_space<vmem>> -> memref<1x1x128xi32, #tpu.memory_space<vmem>>
        %dma_wait3A_322 = tpu.memref_squeeze %dma_wait3A_321 : memref<1x1x128xi32, #tpu.memory_space<vmem>> -> memref<128xi32, #tpu.memory_space<vmem>>
        %dma_wait3A_323 = arith.constant 0 : i32
        %dma_wait3A_324 = arith.constant 0 : i32
        %dma_wait3A_325 = tpu.memref_slice %arg7[%dma_wait3A_323, %dma_wait3A_324] : memref<400x128xf32, #tpu.memory_space<vmem_shared>> -> memref<400x128xf32, #tpu.memory_space<vmem_shared>>
        tpu.wait_indirect_dma semaphore(%arg31 : memref<!tpu.dma_semaphore, #tpu.memory_space<semaphore_mem>>) src(%dma_wait3A_325 : memref<400x128xf32, #tpu.memory_space<vmem_shared>>) dst(%arg13 : memref<128x128xf32, #tpu.memory_space<vmem>>)
        %dma_wait3A_326 = arith.constant 5 : i32
        %dma_wait3A_327 = arith.constant 2 : i32
        %dma_wait3A_328 = arith.constant 0 : i32
        %dma_wait3A_329 = tpu.memref_slice %arg6[%dma_wait3A_326, %dma_wait3A_327, %dma_wait3A_328] : memref<6x3x128xi32, #tpu.memory_space<vmem>> -> memref<1x1x128xi32, #tpu.memory_space<vmem>>
        %dma_wait3A_330 = tpu.memref_squeeze %dma_wait3A_329 : memref<1x1x128xi32, #tpu.memory_space<vmem>> -> memref<128xi32, #tpu.memory_space<vmem>>
        %dma_wait3A_331 = arith.constant 0 : i32
        %dma_wait3A_332 = arith.constant 0 : i32
        %dma_wait3A_333 = tpu.memref_slice %arg7[%dma_wait3A_331, %dma_wait3A_332] : memref<400x128xf32, #tpu.memory_space<vmem_shared>> -> memref<400x128xf32, #tpu.memory_space<vmem_shared>>
        tpu.wait_indirect_dma semaphore(%arg37 : memref<!tpu.dma_semaphore, #tpu.memory_space<semaphore_mem>>) src(%dma_wait3A_333 : memref<400x128xf32, #tpu.memory_space<vmem_shared>>) dst(%arg13 : memref<128x128xf32, #tpu.memory_space<vmem>>)
        %add3A_334 = arith.addi %mul3A_2, %add3A_223 : i32
        %sub3A = arith.constant 4 : i32
        %sub3A_335 = arith.subi %add3A_334, %sub3A : i32
        %mul3A_336 = arith.constant 128 : i32
        %mul3A_337 = arith.muli %sub3A_335, %mul3A_336 : i32
        %dma_start3A_338 = arith.constant 0 : i32
        %dma_start3A_339 = tpu.memref_slice %arg5[%mul3A_337, %dma_start3A_338] : memref<819200x128xf32, #tpu.memory_space<hbm>> -> memref<128x128xf32, #tpu.memory_space<hbm>>
        %dma_start3A_340 = arith.constant 0 : i32
        %dma_start3A_341 = tpu.memref_slice %arg5[%mul3A_337, %dma_start3A_340] : memref<819200x128xf32, #tpu.memory_space<hbm>> -> memref<128x128xf32, #tpu.memory_space<hbm>>
        tpu.enqueue_dma source(%arg13 : memref<128x128xf32, #tpu.memory_space<vmem>>) target(%dma_start3A_341 : memref<128x128xf32, #tpu.memory_space<hbm>>) target_semaphore(%arg43 : memref<!tpu.dma_semaphore, #tpu.memory_space<semaphore_mem>>)
        %add3A_342 = arith.constant 6 : i32
        %add3A_343 = arith.addi %add3A_223, %add3A_342 : i32
        %sub3A_344 = arith.constant 4 : i32
        %sub3A_345 = arith.subi %add3A_343, %sub3A_344 : i32
        %lt3A_346 = arith.constant 200 : i32
        %lt3A_347 = arith.cmpi slt, %sub3A_345, %lt3A_346 : i32
        %convert_element_type3A_348 = arith.extui %lt3A_347 : i1 to i32
        %cond3A_349 = arith.constant 0 : i32
        %cond3A_350 = arith.cmpi ne, %convert_element_type3A_348, %cond3A_349 : i32
        scf.if %cond3A_350 {
          %add3A_351 = arith.addi %mul3A_2, %add3A_223 : i32
          %add3A_352 = arith.constant 6 : i32
          %add3A_353 = arith.addi %add3A_351, %add3A_352 : i32
          %sub3A_354 = arith.constant 4 : i32
          %sub3A_355 = arith.subi %add3A_353, %sub3A_354 : i32
          %dma_start3A_356 = arith.constant 5 : i32
          %dma_start3A_357 = arith.constant 0 : i32
          %dma_start3A_358 = arith.constant 0 : i32
          %dma_start3A_359 = tpu.memref_slice %arg6[%dma_start3A_356, %dma_start3A_357, %dma_start3A_358] : memref<6x3x128xi32, #tpu.memory_space<vmem>> -> memref<1x3x128xi32, #tpu.memory_space<vmem>>
          %dma_start3A_360 = tpu.memref_squeeze %dma_start3A_359 : memref<1x3x128xi32, #tpu.memory_space<vmem>> -> memref<3x128xi32, #tpu.memory_space<vmem>>
          %dma_start3A_361 = arith.constant 0 : i32
          %dma_start3A_362 = arith.constant 0 : i32
          %dma_start3A_363 = tpu.memref_slice %arg2[%sub3A_355, %dma_start3A_361, %dma_start3A_362] : memref<6400x3x128xi32, #tpu.memory_space<hbm>> -> memref<1x3x128xi32, #tpu.memory_space<hbm>>
          %dma_start3A_364 = tpu.memref_squeeze %dma_start3A_363 : memref<1x3x128xi32, #tpu.memory_space<hbm>> -> memref<3x128xi32, #tpu.memory_space<hbm>>
          %dma_start3A_365 = arith.constant 0 : i32
          %dma_start3A_366 = arith.constant 0 : i32
          %dma_start3A_367 = tpu.memref_slice %arg6[%dma_start3A_356, %dma_start3A_365, %dma_start3A_366] : memref<6x3x128xi32, #tpu.memory_space<vmem>> -> memref<1x3x128xi32, #tpu.memory_space<vmem>>
          %dma_start3A_368 = tpu.memref_squeeze %dma_start3A_367 : memref<1x3x128xi32, #tpu.memory_space<vmem>> -> memref<3x128xi32, #tpu.memory_space<vmem>>
          %dma_start3A_369 = arith.constant 0 : i32
          %dma_start3A_370 = arith.constant 0 : i32
          %dma_start3A_371 = tpu.memref_slice %arg2[%sub3A_355, %dma_start3A_369, %dma_start3A_370] : memref<6400x3x128xi32, #tpu.memory_space<hbm>> -> memref<1x3x128xi32, #tpu.memory_space<hbm>>
          %dma_start3A_372 = tpu.memref_squeeze %dma_start3A_371 : memref<1x3x128xi32, #tpu.memory_space<hbm>> -> memref<3x128xi32, #tpu.memory_space<hbm>>
          tpu.enqueue_dma source(%dma_start3A_372 : memref<3x128xi32, #tpu.memory_space<hbm>>) target(%dma_start3A_368 : memref<3x128xi32, #tpu.memory_space<vmem>>) target_semaphore(%arg19 : memref<!tpu.dma_semaphore, #tpu.memory_space<semaphore_mem>>)
        } else {
        }
      } else {
      }
      %mul3A_253 = arith.constant 6 : i32
      %mul3A_254 = arith.muli %mul3A_253, %scan3A_123 : i32
      %add3A_255 = arith.constant 4 : i32
      %add3A_256 = arith.addi %mul3A_254, %add3A_255 : i32
      %ge3A_257 = arith.constant 6 : i32
      %ge3A_258 = arith.cmpi sge, %add3A_256, %ge3A_257 : i32
      %lt3A_259 = arith.constant 206 : i32
      %lt3A_260 = arith.cmpi slt, %add3A_256, %lt3A_259 : i32
      %and3A_261 = arith.andi %ge3A_258, %lt3A_260 : i1
      %convert_element_type3A_262 = arith.extui %and3A_261 : i1 to i32
      %cond3A_263 = arith.constant 0 : i32
      %cond3A_264 = arith.cmpi ne, %convert_element_type3A_262, %cond3A_263 : i32
      scf.if %cond3A_264 {
        %sub3A = arith.constant 6 : i32
        %sub3A_319 = arith.subi %add3A_256, %sub3A : i32
        %add3A_320 = arith.addi %mul3A_2, %sub3A_319 : i32
        %mul3A_321 = arith.constant 128 : i32
        %mul3A_322 = arith.muli %add3A_320, %mul3A_321 : i32
        %dma_wait3A = arith.constant 0 : i32
        %dma_wait3A_323 = tpu.memref_slice %arg5[%mul3A_322, %dma_wait3A] : memref<819200x128xf32, #tpu.memory_space<hbm>> -> memref<128x128xf32, #tpu.memory_space<hbm>>
        %dma_wait3A_324 = arith.constant 0 : i32
        %dma_wait3A_325 = tpu.memref_slice %arg5[%mul3A_322, %dma_wait3A_324] : memref<819200x128xf32, #tpu.memory_space<hbm>> -> memref<128x128xf32, #tpu.memory_space<hbm>>
        tpu.wait_dma2 semaphore(%arg42 : memref<!tpu.dma_semaphore, #tpu.memory_space<semaphore_mem>>) src(%arg12 : memref<128x128xf32, #tpu.memory_space<vmem>>) dst(%dma_wait3A_325 : memref<128x128xf32, #tpu.memory_space<hbm>>)
      } else {
      }
      %lt3A_265 = arith.constant 200 : i32
      %lt3A_266 = arith.cmpi slt, %add3A_256, %lt3A_265 : i32
      %convert_element_type3A_267 = arith.extui %lt3A_266 : i1 to i32
      %cond3A_268 = arith.constant 0 : i32
      %cond3A_269 = arith.cmpi ne, %convert_element_type3A_267, %cond3A_268 : i32
      scf.if %cond3A_269 {
        %add3A_319 = arith.addi %mul3A_2, %add3A_256 : i32
        %dma_wait3A = arith.constant 4 : i32
        %dma_wait3A_320 = arith.constant 0 : i32
        %dma_wait3A_321 = arith.constant 0 : i32
        %dma_wait3A_322 = tpu.memref_slice %arg6[%dma_wait3A, %dma_wait3A_320, %dma_wait3A_321] : memref<6x3x128xi32, #tpu.memory_space<vmem>> -> memref<1x3x128xi32, #tpu.memory_space<vmem>>
        %dma_wait3A_323 = tpu.memref_squeeze %dma_wait3A_322 : memref<1x3x128xi32, #tpu.memory_space<vmem>> -> memref<3x128xi32, #tpu.memory_space<vmem>>
        %dma_wait3A_324 = arith.constant 0 : i32
        %dma_wait3A_325 = arith.constant 0 : i32
        %dma_wait3A_326 = tpu.memref_slice %arg2[%add3A_319, %dma_wait3A_324, %dma_wait3A_325] : memref<6400x3x128xi32, #tpu.memory_space<hbm>> -> memref<1x3x128xi32, #tpu.memory_space<hbm>>
        %dma_wait3A_327 = tpu.memref_squeeze %dma_wait3A_326 : memref<1x3x128xi32, #tpu.memory_space<hbm>> -> memref<3x128xi32, #tpu.memory_space<hbm>>
        %dma_wait3A_328 = arith.constant 0 : i32
        %dma_wait3A_329 = arith.constant 0 : i32
        %dma_wait3A_330 = tpu.memref_slice %arg6[%dma_wait3A, %dma_wait3A_328, %dma_wait3A_329] : memref<6x3x128xi32, #tpu.memory_space<vmem>> -> memref<1x3x128xi32, #tpu.memory_space<vmem>>
        %dma_wait3A_331 = tpu.memref_squeeze %dma_wait3A_330 : memref<1x3x128xi32, #tpu.memory_space<vmem>> -> memref<3x128xi32, #tpu.memory_space<vmem>>
        %dma_wait3A_332 = arith.constant 0 : i32
        %dma_wait3A_333 = arith.constant 0 : i32
        %dma_wait3A_334 = tpu.memref_slice %arg2[%add3A_319, %dma_wait3A_332, %dma_wait3A_333] : memref<6400x3x128xi32, #tpu.memory_space<hbm>> -> memref<1x3x128xi32, #tpu.memory_space<hbm>>
        %dma_wait3A_335 = tpu.memref_squeeze %dma_wait3A_334 : memref<1x3x128xi32, #tpu.memory_space<hbm>> -> memref<3x128xi32, #tpu.memory_space<hbm>>
        tpu.wait_dma2 semaphore(%arg18 : memref<!tpu.dma_semaphore, #tpu.memory_space<semaphore_mem>>) src(%dma_wait3A_335 : memref<3x128xi32, #tpu.memory_space<hbm>>) dst(%dma_wait3A_331 : memref<3x128xi32, #tpu.memory_space<vmem>>)
        %dma_start3A_336 = arith.constant 4 : i32
        %dma_start3A_337 = arith.constant 0 : i32
        %dma_start3A_338 = arith.constant 0 : i32
        %dma_start3A_339 = tpu.memref_slice %arg6[%dma_start3A_336, %dma_start3A_337, %dma_start3A_338] : memref<6x3x128xi32, #tpu.memory_space<vmem>> -> memref<1x1x128xi32, #tpu.memory_space<vmem>>
        %dma_start3A_340 = tpu.memref_squeeze %dma_start3A_339 : memref<1x1x128xi32, #tpu.memory_space<vmem>> -> memref<128xi32, #tpu.memory_space<vmem>>
        %dma_start3A_341 = arith.constant 0 : i32
        %dma_start3A_342 = arith.constant 0 : i32
        %dma_start3A_343 = tpu.memref_slice %arg3[%dma_start3A_341, %dma_start3A_342] : memref<100000x128xf32, #tpu.memory_space<hbm>> -> memref<100000x128xf32, #tpu.memory_space<hbm>>
        tpu.enqueue_indirect_dma source(%dma_start3A_343 : memref<100000x128xf32, #tpu.memory_space<hbm>>) target(%arg12 : memref<128x128xf32, #tpu.memory_space<vmem>>) offsets(%dma_start3A_340 : memref<128xi32, #tpu.memory_space<vmem>>) semaphore(%arg24 : memref<!tpu.dma_semaphore, #tpu.memory_space<semaphore_mem>>)
      } else {
      }
      %ge3A_270 = arith.constant 2 : i32
      %ge3A_271 = arith.cmpi sge, %add3A_256, %ge3A_270 : i32
      %lt3A_272 = arith.constant 202 : i32
      %lt3A_273 = arith.cmpi slt, %add3A_256, %lt3A_272 : i32
      %and3A_274 = arith.andi %ge3A_271, %lt3A_273 : i1
      %convert_element_type3A_275 = arith.extui %and3A_274 : i1 to i32
      %cond3A_276 = arith.constant 0 : i32
      %cond3A_277 = arith.cmpi ne, %convert_element_type3A_275, %cond3A_276 : i32
      scf.if %cond3A_277 {
        %dma_wait3A = arith.constant 2 : i32
        %dma_wait3A_319 = arith.constant 0 : i32
        %dma_wait3A_320 = arith.constant 0 : i32
        %dma_wait3A_321 = tpu.memref_slice %arg6[%dma_wait3A, %dma_wait3A_319, %dma_wait3A_320] : memref<6x3x128xi32, #tpu.memory_space<vmem>> -> memref<1x1x128xi32, #tpu.memory_space<vmem>>
        %dma_wait3A_322 = tpu.memref_squeeze %dma_wait3A_321 : memref<1x1x128xi32, #tpu.memory_space<vmem>> -> memref<128xi32, #tpu.memory_space<vmem>>
        %dma_wait3A_323 = arith.constant 0 : i32
        %dma_wait3A_324 = arith.constant 0 : i32
        %dma_wait3A_325 = tpu.memref_slice %arg3[%dma_wait3A_323, %dma_wait3A_324] : memref<100000x128xf32, #tpu.memory_space<hbm>> -> memref<100000x128xf32, #tpu.memory_space<hbm>>
        tpu.wait_indirect_dma semaphore(%arg22 : memref<!tpu.dma_semaphore, #tpu.memory_space<semaphore_mem>>) src(%dma_wait3A_325 : memref<100000x128xf32, #tpu.memory_space<hbm>>) dst(%arg10 : memref<128x128xf32, #tpu.memory_space<vmem>>)
        %dma_start3A_326 = arith.constant 2 : i32
        %dma_start3A_327 = arith.constant 1 : i32
        %dma_start3A_328 = arith.constant 0 : i32
        %dma_start3A_329 = tpu.memref_slice %arg6[%dma_start3A_326, %dma_start3A_327, %dma_start3A_328] : memref<6x3x128xi32, #tpu.memory_space<vmem>> -> memref<1x1x128xi32, #tpu.memory_space<vmem>>
        %dma_start3A_330 = tpu.memref_squeeze %dma_start3A_329 : memref<1x1x128xi32, #tpu.memory_space<vmem>> -> memref<128xi32, #tpu.memory_space<vmem>>
        %dma_start3A_331 = arith.constant 0 : i32
        %dma_start3A_332 = arith.constant 0 : i32
        %dma_start3A_333 = tpu.memref_slice %arg7[%dma_start3A_331, %dma_start3A_332] : memref<400x128xf32, #tpu.memory_space<vmem_shared>> -> memref<400x128xf32, #tpu.memory_space<vmem_shared>>
        tpu.enqueue_indirect_dma source(%dma_start3A_333 : memref<400x128xf32, #tpu.memory_space<vmem_shared>>) target(%arg10 : memref<128x128xf32, #tpu.memory_space<vmem>>) offsets(%dma_start3A_330 : memref<128xi32, #tpu.memory_space<vmem>>) semaphore(%arg28 : memref<!tpu.dma_semaphore, #tpu.memory_space<semaphore_mem>>) {add = true}
        %dma_start3A_334 = arith.constant 2 : i32
        %dma_start3A_335 = arith.constant 2 : i32
        %dma_start3A_336 = arith.constant 0 : i32
        %dma_start3A_337 = tpu.memref_slice %arg6[%dma_start3A_334, %dma_start3A_335, %dma_start3A_336] : memref<6x3x128xi32, #tpu.memory_space<vmem>> -> memref<1x1x128xi32, #tpu.memory_space<vmem>>
        %dma_start3A_338 = tpu.memref_squeeze %dma_start3A_337 : memref<1x1x128xi32, #tpu.memory_space<vmem>> -> memref<128xi32, #tpu.memory_space<vmem>>
        %dma_start3A_339 = arith.constant 0 : i32
        %dma_start3A_340 = arith.constant 0 : i32
        %dma_start3A_341 = tpu.memref_slice %arg7[%dma_start3A_339, %dma_start3A_340] : memref<400x128xf32, #tpu.memory_space<vmem_shared>> -> memref<400x128xf32, #tpu.memory_space<vmem_shared>>
        tpu.enqueue_indirect_dma source(%dma_start3A_341 : memref<400x128xf32, #tpu.memory_space<vmem_shared>>) target(%arg10 : memref<128x128xf32, #tpu.memory_space<vmem>>) offsets(%dma_start3A_338 : memref<128xi32, #tpu.memory_space<vmem>>) semaphore(%arg34 : memref<!tpu.dma_semaphore, #tpu.memory_space<semaphore_mem>>) {add = true}
      } else {
      }
      %ge3A_278 = arith.constant 4 : i32
      %ge3A_279 = arith.cmpi sge, %add3A_256, %ge3A_278 : i32
      %lt3A_280 = arith.constant 204 : i32
      %lt3A_281 = arith.cmpi slt, %add3A_256, %lt3A_280 : i32
      %and3A_282 = arith.andi %ge3A_279, %lt3A_281 : i1
      %convert_element_type3A_283 = arith.extui %and3A_282 : i1 to i32
      %cond3A_284 = arith.constant 0 : i32
      %cond3A_285 = arith.cmpi ne, %convert_element_type3A_283, %cond3A_284 : i32
      scf.if %cond3A_285 {
        %dma_wait3A = arith.constant 0 : i32
        %dma_wait3A_319 = arith.constant 1 : i32
        %dma_wait3A_320 = arith.constant 0 : i32
        %dma_wait3A_321 = tpu.memref_slice %arg6[%dma_wait3A, %dma_wait3A_319, %dma_wait3A_320] : memref<6x3x128xi32, #tpu.memory_space<vmem>> -> memref<1x1x128xi32, #tpu.memory_space<vmem>>
        %dma_wait3A_322 = tpu.memref_squeeze %dma_wait3A_321 : memref<1x1x128xi32, #tpu.memory_space<vmem>> -> memref<128xi32, #tpu.memory_space<vmem>>
        %dma_wait3A_323 = arith.constant 0 : i32
        %dma_wait3A_324 = arith.constant 0 : i32
        %dma_wait3A_325 = tpu.memref_slice %arg7[%dma_wait3A_323, %dma_wait3A_324] : memref<400x128xf32, #tpu.memory_space<vmem_shared>> -> memref<400x128xf32, #tpu.memory_space<vmem_shared>>
        tpu.wait_indirect_dma semaphore(%arg26 : memref<!tpu.dma_semaphore, #tpu.memory_space<semaphore_mem>>) src(%dma_wait3A_325 : memref<400x128xf32, #tpu.memory_space<vmem_shared>>) dst(%arg8 : memref<128x128xf32, #tpu.memory_space<vmem>>)
        %dma_wait3A_326 = arith.constant 0 : i32
        %dma_wait3A_327 = arith.constant 2 : i32
        %dma_wait3A_328 = arith.constant 0 : i32
        %dma_wait3A_329 = tpu.memref_slice %arg6[%dma_wait3A_326, %dma_wait3A_327, %dma_wait3A_328] : memref<6x3x128xi32, #tpu.memory_space<vmem>> -> memref<1x1x128xi32, #tpu.memory_space<vmem>>
        %dma_wait3A_330 = tpu.memref_squeeze %dma_wait3A_329 : memref<1x1x128xi32, #tpu.memory_space<vmem>> -> memref<128xi32, #tpu.memory_space<vmem>>
        %dma_wait3A_331 = arith.constant 0 : i32
        %dma_wait3A_332 = arith.constant 0 : i32
        %dma_wait3A_333 = tpu.memref_slice %arg7[%dma_wait3A_331, %dma_wait3A_332] : memref<400x128xf32, #tpu.memory_space<vmem_shared>> -> memref<400x128xf32, #tpu.memory_space<vmem_shared>>
        tpu.wait_indirect_dma semaphore(%arg32 : memref<!tpu.dma_semaphore, #tpu.memory_space<semaphore_mem>>) src(%dma_wait3A_333 : memref<400x128xf32, #tpu.memory_space<vmem_shared>>) dst(%arg8 : memref<128x128xf32, #tpu.memory_space<vmem>>)
        %add3A_334 = arith.addi %mul3A_2, %add3A_256 : i32
        %sub3A = arith.constant 4 : i32
        %sub3A_335 = arith.subi %add3A_334, %sub3A : i32
        %mul3A_336 = arith.constant 128 : i32
        %mul3A_337 = arith.muli %sub3A_335, %mul3A_336 : i32
        %dma_start3A_338 = arith.constant 0 : i32
        %dma_start3A_339 = tpu.memref_slice %arg5[%mul3A_337, %dma_start3A_338] : memref<819200x128xf32, #tpu.memory_space<hbm>> -> memref<128x128xf32, #tpu.memory_space<hbm>>
        %dma_start3A_340 = arith.constant 0 : i32
        %dma_start3A_341 = tpu.memref_slice %arg5[%mul3A_337, %dma_start3A_340] : memref<819200x128xf32, #tpu.memory_space<hbm>> -> memref<128x128xf32, #tpu.memory_space<hbm>>
        tpu.enqueue_dma source(%arg8 : memref<128x128xf32, #tpu.memory_space<vmem>>) target(%dma_start3A_341 : memref<128x128xf32, #tpu.memory_space<hbm>>) target_semaphore(%arg38 : memref<!tpu.dma_semaphore, #tpu.memory_space<semaphore_mem>>)
        %add3A_342 = arith.constant 6 : i32
        %add3A_343 = arith.addi %add3A_256, %add3A_342 : i32
        %sub3A_344 = arith.constant 4 : i32
        %sub3A_345 = arith.subi %add3A_343, %sub3A_344 : i32
        %lt3A_346 = arith.constant 200 : i32
        %lt3A_347 = arith.cmpi slt, %sub3A_345, %lt3A_346 : i32
        %convert_element_type3A_348 = arith.extui %lt3A_347 : i1 to i32
        %cond3A_349 = arith.constant 0 : i32
        %cond3A_350 = arith.cmpi ne, %convert_element_type3A_348, %cond3A_349 : i32
        scf.if %cond3A_350 {
          %add3A_351 = arith.addi %mul3A_2, %add3A_256 : i32
          %add3A_352 = arith.constant 6 : i32
          %add3A_353 = arith.addi %add3A_351, %add3A_352 : i32
          %sub3A_354 = arith.constant 4 : i32
          %sub3A_355 = arith.subi %add3A_353, %sub3A_354 : i32
          %dma_start3A_356 = arith.constant 0 : i32
          %dma_start3A_357 = arith.constant 0 : i32
          %dma_start3A_358 = arith.constant 0 : i32
          %dma_start3A_359 = tpu.memref_slice %arg6[%dma_start3A_356, %dma_start3A_357, %dma_start3A_358] : memref<6x3x128xi32, #tpu.memory_space<vmem>> -> memref<1x3x128xi32, #tpu.memory_space<vmem>>
          %dma_start3A_360 = tpu.memref_squeeze %dma_start3A_359 : memref<1x3x128xi32, #tpu.memory_space<vmem>> -> memref<3x128xi32, #tpu.memory_space<vmem>>
          %dma_start3A_361 = arith.constant 0 : i32
          %dma_start3A_362 = arith.constant 0 : i32
          %dma_start3A_363 = tpu.memref_slice %arg2[%sub3A_355, %dma_start3A_361, %dma_start3A_362] : memref<6400x3x128xi32, #tpu.memory_space<hbm>> -> memref<1x3x128xi32, #tpu.memory_space<hbm>>
          %dma_start3A_364 = tpu.memref_squeeze %dma_start3A_363 : memref<1x3x128xi32, #tpu.memory_space<hbm>> -> memref<3x128xi32, #tpu.memory_space<hbm>>
          %dma_start3A_365 = arith.constant 0 : i32
          %dma_start3A_366 = arith.constant 0 : i32
          %dma_start3A_367 = tpu.memref_slice %arg6[%dma_start3A_356, %dma_start3A_365, %dma_start3A_366] : memref<6x3x128xi32, #tpu.memory_space<vmem>> -> memref<1x3x128xi32, #tpu.memory_space<vmem>>
          %dma_start3A_368 = tpu.memref_squeeze %dma_start3A_367 : memref<1x3x128xi32, #tpu.memory_space<vmem>> -> memref<3x128xi32, #tpu.memory_space<vmem>>
          %dma_start3A_369 = arith.constant 0 : i32
          %dma_start3A_370 = arith.constant 0 : i32
          %dma_start3A_371 = tpu.memref_slice %arg2[%sub3A_355, %dma_start3A_369, %dma_start3A_370] : memref<6400x3x128xi32, #tpu.memory_space<hbm>> -> memref<1x3x128xi32, #tpu.memory_space<hbm>>
          %dma_start3A_372 = tpu.memref_squeeze %dma_start3A_371 : memref<1x3x128xi32, #tpu.memory_space<hbm>> -> memref<3x128xi32, #tpu.memory_space<hbm>>
          tpu.enqueue_dma source(%dma_start3A_372 : memref<3x128xi32, #tpu.memory_space<hbm>>) target(%dma_start3A_368 : memref<3x128xi32, #tpu.memory_space<vmem>>) target_semaphore(%arg14 : memref<!tpu.dma_semaphore, #tpu.memory_space<semaphore_mem>>)
        } else {
        }
      } else {
      }
      %mul3A_286 = arith.constant 6 : i32
      %mul3A_287 = arith.muli %mul3A_286, %scan3A_123 : i32
      %add3A_288 = arith.constant 5 : i32
      %add3A_289 = arith.addi %mul3A_287, %add3A_288 : i32
      %ge3A_290 = arith.constant 6 : i32
      %ge3A_291 = arith.cmpi sge, %add3A_289, %ge3A_290 : i32
      %lt3A_292 = arith.constant 206 : i32
      %lt3A_293 = arith.cmpi slt, %add3A_289, %lt3A_292 : i32
      %and3A_294 = arith.andi %ge3A_291, %lt3A_293 : i1
      %convert_element_type3A_295 = arith.extui %and3A_294 : i1 to i32
      %cond3A_296 = arith.constant 0 : i32
      %cond3A_297 = arith.cmpi ne, %convert_element_type3A_295, %cond3A_296 : i32
      scf.if %cond3A_297 {
        %sub3A = arith.constant 6 : i32
        %sub3A_319 = arith.subi %add3A_289, %sub3A : i32
        %add3A_320 = arith.addi %mul3A_2, %sub3A_319 : i32
        %mul3A_321 = arith.constant 128 : i32
        %mul3A_322 = arith.muli %add3A_320, %mul3A_321 : i32
        %dma_wait3A = arith.constant 0 : i32
        %dma_wait3A_323 = tpu.memref_slice %arg5[%mul3A_322, %dma_wait3A] : memref<819200x128xf32, #tpu.memory_space<hbm>> -> memref<128x128xf32, #tpu.memory_space<hbm>>
        %dma_wait3A_324 = arith.constant 0 : i32
        %dma_wait3A_325 = tpu.memref_slice %arg5[%mul3A_322, %dma_wait3A_324] : memref<819200x128xf32, #tpu.memory_space<hbm>> -> memref<128x128xf32, #tpu.memory_space<hbm>>
        tpu.wait_dma2 semaphore(%arg43 : memref<!tpu.dma_semaphore, #tpu.memory_space<semaphore_mem>>) src(%arg13 : memref<128x128xf32, #tpu.memory_space<vmem>>) dst(%dma_wait3A_325 : memref<128x128xf32, #tpu.memory_space<hbm>>)
      } else {
      }
      %lt3A_298 = arith.constant 200 : i32
      %lt3A_299 = arith.cmpi slt, %add3A_289, %lt3A_298 : i32
      %convert_element_type3A_300 = arith.extui %lt3A_299 : i1 to i32
      %cond3A_301 = arith.constant 0 : i32
      %cond3A_302 = arith.cmpi ne, %convert_element_type3A_300, %cond3A_301 : i32
      scf.if %cond3A_302 {
        %add3A_319 = arith.addi %mul3A_2, %add3A_289 : i32
        %dma_wait3A = arith.constant 5 : i32
        %dma_wait3A_320 = arith.constant 0 : i32
        %dma_wait3A_321 = arith.constant 0 : i32
        %dma_wait3A_322 = tpu.memref_slice %arg6[%dma_wait3A, %dma_wait3A_320, %dma_wait3A_321] : memref<6x3x128xi32, #tpu.memory_space<vmem>> -> memref<1x3x128xi32, #tpu.memory_space<vmem>>
        %dma_wait3A_323 = tpu.memref_squeeze %dma_wait3A_322 : memref<1x3x128xi32, #tpu.memory_space<vmem>> -> memref<3x128xi32, #tpu.memory_space<vmem>>
        %dma_wait3A_324 = arith.constant 0 : i32
        %dma_wait3A_325 = arith.constant 0 : i32
        %dma_wait3A_326 = tpu.memref_slice %arg2[%add3A_319, %dma_wait3A_324, %dma_wait3A_325] : memref<6400x3x128xi32, #tpu.memory_space<hbm>> -> memref<1x3x128xi32, #tpu.memory_space<hbm>>
        %dma_wait3A_327 = tpu.memref_squeeze %dma_wait3A_326 : memref<1x3x128xi32, #tpu.memory_space<hbm>> -> memref<3x128xi32, #tpu.memory_space<hbm>>
        %dma_wait3A_328 = arith.constant 0 : i32
        %dma_wait3A_329 = arith.constant 0 : i32
        %dma_wait3A_330 = tpu.memref_slice %arg6[%dma_wait3A, %dma_wait3A_328, %dma_wait3A_329] : memref<6x3x128xi32, #tpu.memory_space<vmem>> -> memref<1x3x128xi32, #tpu.memory_space<vmem>>
        %dma_wait3A_331 = tpu.memref_squeeze %dma_wait3A_330 : memref<1x3x128xi32, #tpu.memory_space<vmem>> -> memref<3x128xi32, #tpu.memory_space<vmem>>
        %dma_wait3A_332 = arith.constant 0 : i32
        %dma_wait3A_333 = arith.constant 0 : i32
        %dma_wait3A_334 = tpu.memref_slice %arg2[%add3A_319, %dma_wait3A_332, %dma_wait3A_333] : memref<6400x3x128xi32, #tpu.memory_space<hbm>> -> memref<1x3x128xi32, #tpu.memory_space<hbm>>
        %dma_wait3A_335 = tpu.memref_squeeze %dma_wait3A_334 : memref<1x3x128xi32, #tpu.memory_space<hbm>> -> memref<3x128xi32, #tpu.memory_space<hbm>>
        tpu.wait_dma2 semaphore(%arg19 : memref<!tpu.dma_semaphore, #tpu.memory_space<semaphore_mem>>) src(%dma_wait3A_335 : memref<3x128xi32, #tpu.memory_space<hbm>>) dst(%dma_wait3A_331 : memref<3x128xi32, #tpu.memory_space<vmem>>)
        %dma_start3A_336 = arith.constant 5 : i32
        %dma_start3A_337 = arith.constant 0 : i32
        %dma_start3A_338 = arith.constant 0 : i32
        %dma_start3A_339 = tpu.memref_slice %arg6[%dma_start3A_336, %dma_start3A_337, %dma_start3A_338] : memref<6x3x128xi32, #tpu.memory_space<vmem>> -> memref<1x1x128xi32, #tpu.memory_space<vmem>>
        %dma_start3A_340 = tpu.memref_squeeze %dma_start3A_339 : memref<1x1x128xi32, #tpu.memory_space<vmem>> -> memref<128xi32, #tpu.memory_space<vmem>>
        %dma_start3A_341 = arith.constant 0 : i32
        %dma_start3A_342 = arith.constant 0 : i32
        %dma_start3A_343 = tpu.memref_slice %arg3[%dma_start3A_341, %dma_start3A_342] : memref<100000x128xf32, #tpu.memory_space<hbm>> -> memref<100000x128xf32, #tpu.memory_space<hbm>>
        tpu.enqueue_indirect_dma source(%dma_start3A_343 : memref<100000x128xf32, #tpu.memory_space<hbm>>) target(%arg13 : memref<128x128xf32, #tpu.memory_space<vmem>>) offsets(%dma_start3A_340 : memref<128xi32, #tpu.memory_space<vmem>>) semaphore(%arg25 : memref<!tpu.dma_semaphore, #tpu.memory_space<semaphore_mem>>)
      } else {
      }
      %ge3A_303 = arith.constant 2 : i32
      %ge3A_304 = arith.cmpi sge, %add3A_289, %ge3A_303 : i32
      %lt3A_305 = arith.constant 202 : i32
      %lt3A_306 = arith.cmpi slt, %add3A_289, %lt3A_305 : i32
      %and3A_307 = arith.andi %ge3A_304, %lt3A_306 : i1
      %convert_element_type3A_308 = arith.extui %and3A_307 : i1 to i32
      %cond3A_309 = arith.constant 0 : i32
      %cond3A_310 = arith.cmpi ne, %convert_element_type3A_308, %cond3A_309 : i32
      scf.if %cond3A_310 {
        %dma_wait3A = arith.constant 3 : i32
        %dma_wait3A_319 = arith.constant 0 : i32
        %dma_wait3A_320 = arith.constant 0 : i32
        %dma_wait3A_321 = tpu.memref_slice %arg6[%dma_wait3A, %dma_wait3A_319, %dma_wait3A_320] : memref<6x3x128xi32, #tpu.memory_space<vmem>> -> memref<1x1x128xi32, #tpu.memory_space<vmem>>
        %dma_wait3A_322 = tpu.memref_squeeze %dma_wait3A_321 : memref<1x1x128xi32, #tpu.memory_space<vmem>> -> memref<128xi32, #tpu.memory_space<vmem>>
        %dma_wait3A_323 = arith.constant 0 : i32
        %dma_wait3A_324 = arith.constant 0 : i32
        %dma_wait3A_325 = tpu.memref_slice %arg3[%dma_wait3A_323, %dma_wait3A_324] : memref<100000x128xf32, #tpu.memory_space<hbm>> -> memref<100000x128xf32, #tpu.memory_space<hbm>>
        tpu.wait_indirect_dma semaphore(%arg23 : memref<!tpu.dma_semaphore, #tpu.memory_space<semaphore_mem>>) src(%dma_wait3A_325 : memref<100000x128xf32, #tpu.memory_space<hbm>>) dst(%arg11 : memref<128x128xf32, #tpu.memory_space<vmem>>)
        %dma_start3A_326 = arith.constant 3 : i32
        %dma_start3A_327 = arith.constant 1 : i32
        %dma_start3A_328 = arith.constant 0 : i32
        %dma_start3A_329 = tpu.memref_slice %arg6[%dma_start3A_326, %dma_start3A_327, %dma_start3A_328] : memref<6x3x128xi32, #tpu.memory_space<vmem>> -> memref<1x1x128xi32, #tpu.memory_space<vmem>>
        %dma_start3A_330 = tpu.memref_squeeze %dma_start3A_329 : memref<1x1x128xi32, #tpu.memory_space<vmem>> -> memref<128xi32, #tpu.memory_space<vmem>>
        %dma_start3A_331 = arith.constant 0 : i32
        %dma_start3A_332 = arith.constant 0 : i32
        %dma_start3A_333 = tpu.memref_slice %arg7[%dma_start3A_331, %dma_start3A_332] : memref<400x128xf32, #tpu.memory_space<vmem_shared>> -> memref<400x128xf32, #tpu.memory_space<vmem_shared>>
        tpu.enqueue_indirect_dma source(%dma_start3A_333 : memref<400x128xf32, #tpu.memory_space<vmem_shared>>) target(%arg11 : memref<128x128xf32, #tpu.memory_space<vmem>>) offsets(%dma_start3A_330 : memref<128xi32, #tpu.memory_space<vmem>>) semaphore(%arg29 : memref<!tpu.dma_semaphore, #tpu.memory_space<semaphore_mem>>) {add = true}
        %dma_start3A_334 = arith.constant 3 : i32
        %dma_start3A_335 = arith.constant 2 : i32
        %dma_start3A_336 = arith.constant 0 : i32
        %dma_start3A_337 = tpu.memref_slice %arg6[%dma_start3A_334, %dma_start3A_335, %dma_start3A_336] : memref<6x3x128xi32, #tpu.memory_space<vmem>> -> memref<1x1x128xi32, #tpu.memory_space<vmem>>
        %dma_start3A_338 = tpu.memref_squeeze %dma_start3A_337 : memref<1x1x128xi32, #tpu.memory_space<vmem>> -> memref<128xi32, #tpu.memory_space<vmem>>
        %dma_start3A_339 = arith.constant 0 : i32
        %dma_start3A_340 = arith.constant 0 : i32
        %dma_start3A_341 = tpu.memref_slice %arg7[%dma_start3A_339, %dma_start3A_340] : memref<400x128xf32, #tpu.memory_space<vmem_shared>> -> memref<400x128xf32, #tpu.memory_space<vmem_shared>>
        tpu.enqueue_indirect_dma source(%dma_start3A_341 : memref<400x128xf32, #tpu.memory_space<vmem_shared>>) target(%arg11 : memref<128x128xf32, #tpu.memory_space<vmem>>) offsets(%dma_start3A_338 : memref<128xi32, #tpu.memory_space<vmem>>) semaphore(%arg35 : memref<!tpu.dma_semaphore, #tpu.memory_space<semaphore_mem>>) {add = true}
      } else {
      }
      %ge3A_311 = arith.constant 4 : i32
      %ge3A_312 = arith.cmpi sge, %add3A_289, %ge3A_311 : i32
      %lt3A_313 = arith.constant 204 : i32
      %lt3A_314 = arith.cmpi slt, %add3A_289, %lt3A_313 : i32
      %and3A_315 = arith.andi %ge3A_312, %lt3A_314 : i1
      %convert_element_type3A_316 = arith.extui %and3A_315 : i1 to i32
      %cond3A_317 = arith.constant 0 : i32
      %cond3A_318 = arith.cmpi ne, %convert_element_type3A_316, %cond3A_317 : i32
      scf.if %cond3A_318 {
        %dma_wait3A = arith.constant 1 : i32
        %dma_wait3A_319 = arith.constant 1 : i32
        %dma_wait3A_320 = arith.constant 0 : i32
        %dma_wait3A_321 = tpu.memref_slice %arg6[%dma_wait3A, %dma_wait3A_319, %dma_wait3A_320] : memref<6x3x128xi32, #tpu.memory_space<vmem>> -> memref<1x1x128xi32, #tpu.memory_space<vmem>>
        %dma_wait3A_322 = tpu.memref_squeeze %dma_wait3A_321 : memref<1x1x128xi32, #tpu.memory_space<vmem>> -> memref<128xi32, #tpu.memory_space<vmem>>
        %dma_wait3A_323 = arith.constant 0 : i32
        %dma_wait3A_324 = arith.constant 0 : i32
        %dma_wait3A_325 = tpu.memref_slice %arg7[%dma_wait3A_323, %dma_wait3A_324] : memref<400x128xf32, #tpu.memory_space<vmem_shared>> -> memref<400x128xf32, #tpu.memory_space<vmem_shared>>
        tpu.wait_indirect_dma semaphore(%arg27 : memref<!tpu.dma_semaphore, #tpu.memory_space<semaphore_mem>>) src(%dma_wait3A_325 : memref<400x128xf32, #tpu.memory_space<vmem_shared>>) dst(%arg9 : memref<128x128xf32, #tpu.memory_space<vmem>>)
        %dma_wait3A_326 = arith.constant 1 : i32
        %dma_wait3A_327 = arith.constant 2 : i32
        %dma_wait3A_328 = arith.constant 0 : i32
        %dma_wait3A_329 = tpu.memref_slice %arg6[%dma_wait3A_326, %dma_wait3A_327, %dma_wait3A_328] : memref<6x3x128xi32, #tpu.memory_space<vmem>> -> memref<1x1x128xi32, #tpu.memory_space<vmem>>
        %dma_wait3A_330 = tpu.memref_squeeze %dma_wait3A_329 : memref<1x1x128xi32, #tpu.memory_space<vmem>> -> memref<128xi32, #tpu.memory_space<vmem>>
        %dma_wait3A_331 = arith.constant 0 : i32
        %dma_wait3A_332 = arith.constant 0 : i32
        %dma_wait3A_333 = tpu.memref_slice %arg7[%dma_wait3A_331, %dma_wait3A_332] : memref<400x128xf32, #tpu.memory_space<vmem_shared>> -> memref<400x128xf32, #tpu.memory_space<vmem_shared>>
        tpu.wait_indirect_dma semaphore(%arg33 : memref<!tpu.dma_semaphore, #tpu.memory_space<semaphore_mem>>) src(%dma_wait3A_333 : memref<400x128xf32, #tpu.memory_space<vmem_shared>>) dst(%arg9 : memref<128x128xf32, #tpu.memory_space<vmem>>)
        %add3A_334 = arith.addi %mul3A_2, %add3A_289 : i32
        %sub3A = arith.constant 4 : i32
        %sub3A_335 = arith.subi %add3A_334, %sub3A : i32
        %mul3A_336 = arith.constant 128 : i32
        %mul3A_337 = arith.muli %sub3A_335, %mul3A_336 : i32
        %dma_start3A_338 = arith.constant 0 : i32
        %dma_start3A_339 = tpu.memref_slice %arg5[%mul3A_337, %dma_start3A_338] : memref<819200x128xf32, #tpu.memory_space<hbm>> -> memref<128x128xf32, #tpu.memory_space<hbm>>
        %dma_start3A_340 = arith.constant 0 : i32
        %dma_start3A_341 = tpu.memref_slice %arg5[%mul3A_337, %dma_start3A_340] : memref<819200x128xf32, #tpu.memory_space<hbm>> -> memref<128x128xf32, #tpu.memory_space<hbm>>
        tpu.enqueue_dma source(%arg9 : memref<128x128xf32, #tpu.memory_space<vmem>>) target(%dma_start3A_341 : memref<128x128xf32, #tpu.memory_space<hbm>>) target_semaphore(%arg39 : memref<!tpu.dma_semaphore, #tpu.memory_space<semaphore_mem>>)
        %add3A_342 = arith.constant 6 : i32
        %add3A_343 = arith.addi %add3A_289, %add3A_342 : i32
        %sub3A_344 = arith.constant 4 : i32
        %sub3A_345 = arith.subi %add3A_343, %sub3A_344 : i32
        %lt3A_346 = arith.constant 200 : i32
        %lt3A_347 = arith.cmpi slt, %sub3A_345, %lt3A_346 : i32
        %convert_element_type3A_348 = arith.extui %lt3A_347 : i1 to i32
        %cond3A_349 = arith.constant 0 : i32
        %cond3A_350 = arith.cmpi ne, %convert_element_type3A_348, %cond3A_349 : i32
        scf.if %cond3A_350 {
          %add3A_351 = arith.addi %mul3A_2, %add3A_289 : i32
          %add3A_352 = arith.constant 6 : i32
          %add3A_353 = arith.addi %add3A_351, %add3A_352 : i32
          %sub3A_354 = arith.constant 4 : i32
          %sub3A_355 = arith.subi %add3A_353, %sub3A_354 : i32
          %dma_start3A_356 = arith.constant 1 : i32
          %dma_start3A_357 = arith.constant 0 : i32
          %dma_start3A_358 = arith.constant 0 : i32
          %dma_start3A_359 = tpu.memref_slice %arg6[%dma_start3A_356, %dma_start3A_357, %dma_start3A_358] : memref<6x3x128xi32, #tpu.memory_space<vmem>> -> memref<1x3x128xi32, #tpu.memory_space<vmem>>
          %dma_start3A_360 = tpu.memref_squeeze %dma_start3A_359 : memref<1x3x128xi32, #tpu.memory_space<vmem>> -> memref<3x128xi32, #tpu.memory_space<vmem>>
          %dma_start3A_361 = arith.constant 0 : i32
          %dma_start3A_362 = arith.constant 0 : i32
          %dma_start3A_363 = tpu.memref_slice %arg2[%sub3A_355, %dma_start3A_361, %dma_start3A_362] : memref<6400x3x128xi32, #tpu.memory_space<hbm>> -> memref<1x3x128xi32, #tpu.memory_space<hbm>>
          %dma_start3A_364 = tpu.memref_squeeze %dma_start3A_363 : memref<1x3x128xi32, #tpu.memory_space<hbm>> -> memref<3x128xi32, #tpu.memory_space<hbm>>
          %dma_start3A_365 = arith.constant 0 : i32
          %dma_start3A_366 = arith.constant 0 : i32
          %dma_start3A_367 = tpu.memref_slice %arg6[%dma_start3A_356, %dma_start3A_365, %dma_start3A_366] : memref<6x3x128xi32, #tpu.memory_space<vmem>> -> memref<1x3x128xi32, #tpu.memory_space<vmem>>
          %dma_start3A_368 = tpu.memref_squeeze %dma_start3A_367 : memref<1x3x128xi32, #tpu.memory_space<vmem>> -> memref<3x128xi32, #tpu.memory_space<vmem>>
          %dma_start3A_369 = arith.constant 0 : i32
          %dma_start3A_370 = arith.constant 0 : i32
          %dma_start3A_371 = tpu.memref_slice %arg2[%sub3A_355, %dma_start3A_369, %dma_start3A_370] : memref<6400x3x128xi32, #tpu.memory_space<hbm>> -> memref<1x3x128xi32, #tpu.memory_space<hbm>>
          %dma_start3A_372 = tpu.memref_squeeze %dma_start3A_371 : memref<1x3x128xi32, #tpu.memory_space<hbm>> -> memref<3x128xi32, #tpu.memory_space<hbm>>
          tpu.enqueue_dma source(%dma_start3A_372 : memref<3x128xi32, #tpu.memory_space<hbm>>) target(%dma_start3A_368 : memref<3x128xi32, #tpu.memory_space<vmem>>) target_semaphore(%arg15 : memref<!tpu.dma_semaphore, #tpu.memory_space<semaphore_mem>>)
        } else {
        }
      } else {
      }
    }
    %scan3A_122 = arith.constant 35 : i32
    return
  }
}

module attributes {stable_mosaic.version = 14 : i64} {
  func.func @_tile_proj_body(%arg0: i32, %arg1: memref<10000x64xf32, #tpu.memory_space<vmem>>, %arg2: memref<64x128xf32, #tpu.memory_space<vmem>>, %arg3: memref<10000x128xf32, #tpu.memory_space<vmem>>) attributes {dimension_semantics = [#tpu.dimension_semantics<arbitrary>], iteration_bounds = array<i64: 10>, scalar_prefetch = 0 : i64, scratch_operands = 0 : i64, tpu.core_type = #tpu.core_type<tc>, window_params = [{transform_indices = @transform_0, window_bounds = array<i64: 10000, 64>}, {pipeline_mode = #tpu.pipeline_mode<synchronous>, transform_indices = @transform_1, window_bounds = array<i64: 64, 128>}, {transform_indices = @transform_2, window_bounds = array<i64: 10000, 128>}]} {
    %get3A = arith.constant 0 : index
    %get3A_0 = arith.constant 0 : index
    %get3A_1 = vector.load %arg1[%get3A, %get3A_0] : memref<10000x64xf32, #tpu.memory_space<vmem>>, vector<10000x64xf32>
    %get3A_2 = arith.constant 0 : index
    %get3A_3 = arith.constant 0 : index
    %get3A_4 = vector.load %arg2[%get3A_2, %get3A_3] : memref<64x128xf32, #tpu.memory_space<vmem>>, vector<64x128xf32>
    %dot_general3A = arith.constant dense<0.000000e+00> : vector<10000x128xf32>
    %dot_general3A_5 = tpu.matmul %get3A_1, %get3A_4, %dot_general3A {dimension_numbers = #tpu.dot_dimension_numbers<[1], [0], [0], [1], [0, 0, 1, 1], [], []>, transpose_lhs_hint = false} : vector<10000x64xf32>, vector<64x128xf32>, vector<10000x128xf32> -> vector<10000x128xf32>
    %swap3A = arith.constant 0 : index
    %swap3A_6 = arith.constant 0 : index
    %swap3A_7 = vector.load %arg3[%swap3A, %swap3A_6] : memref<10000x128xf32, #tpu.memory_space<vmem>>, vector<10000x128xf32>
    tpu.vector_store %arg3[%swap3A, %swap3A_6], %dot_general3A_5 {strides = array<i32>} : memref<10000x128xf32, #tpu.memory_space<vmem>>, vector<10000x128xf32>,
    return
  }
  func.func @transform_0(%arg0: i32) -> (i32, i32) {
    %c0_i32 = arith.constant 0 : i32
    %c0_i32_0 = arith.constant 0 : i32
    return %arg0, %c0_i32 : i32, i32
  }
  func.func @transform_1(%arg0: i32) -> (i32, i32) {
    %c0_i32 = arith.constant 0 : i32
    %c0_i32_0 = arith.constant 0 : i32
    %c0_i32_1 = arith.constant 0 : i32
    return %c0_i32, %c0_i32_0 : i32, i32
  }
  func.func @transform_2(%arg0: i32) -> (i32, i32) {
    %c0_i32 = arith.constant 0 : i32
    %c0_i32_0 = arith.constant 0 : i32
    return %arg0, %c0_i32 : i32, i32
  }
}

module attributes {stable_mosaic.version = 14 : i64} {
  func.func @_idx_body(%arg0: i32, %arg1: memref<256x128xi32, #tpu.memory_space<vmem>>, %arg2: memref<256x128xi32, #tpu.memory_space<vmem>>, %arg3: memref<256x128xi32, #tpu.memory_space<vmem>>, %arg4: memref<256x3x128xi32, #tpu.memory_space<vmem>>) attributes {dimension_semantics = [#tpu.dimension_semantics<arbitrary>], iteration_bounds = array<i64: 25>, scalar_prefetch = 0 : i64, scratch_operands = 0 : i64, tpu.core_type = #tpu.core_type<tc>, window_params = [{transform_indices = @transform_0, window_bounds = array<i64: 256, 128>}, {transform_indices = @transform_1, window_bounds = array<i64: 256, 128>}, {transform_indices = @transform_2, window_bounds = array<i64: 256, 128>}, {transform_indices = @transform_3, window_bounds = array<i64: 256, 3, 128>}]} {
    %get3A = arith.constant 0 : index
    %get3A_0 = arith.constant 0 : index
    %get3A_1 = vector.load %arg1[%get3A, %get3A_0] : memref<256x128xi32, #tpu.memory_space<vmem>>, vector<256x128xi32>
    %swap3A = arith.constant 0 : index
    %swap3A_2 = arith.constant 0 : index
    %swap3A_3 = arith.constant 0 : index
    %swap3A_4 = vector.load %arg4[%swap3A, %swap3A_2, %swap3A_3] : memref<256x3x128xi32, #tpu.memory_space<vmem>>, vector<256x1x128xi32>
    %swap3A_5 = vector.shape_cast %swap3A_4 : vector<256x1x128xi32> to vector<256x128xi32>
    %swap3A_6 = vector.shape_cast %get3A_1 : vector<256x128xi32> to vector<256x1x128xi32>
    tpu.vector_store %arg4[%swap3A, %swap3A_2, %swap3A_3], %swap3A_6 {strides = array<i32>} : memref<256x3x128xi32, #tpu.memory_space<vmem>>, vector<256x1x128xi32>,
    %get3A_7 = arith.constant 0 : index
    %get3A_8 = arith.constant 0 : index
    %get3A_9 = vector.load %arg2[%get3A_7, %get3A_8] : memref<256x128xi32, #tpu.memory_space<vmem>>, vector<256x128xi32>
    %swap3A_10 = arith.constant 0 : index
    %swap3A_11 = arith.constant 1 : index
    %swap3A_12 = arith.constant 0 : index
    %swap3A_13 = vector.load %arg4[%swap3A_10, %swap3A_11, %swap3A_12] : memref<256x3x128xi32, #tpu.memory_space<vmem>>, vector<256x1x128xi32>
    %swap3A_14 = vector.shape_cast %swap3A_13 : vector<256x1x128xi32> to vector<256x128xi32>
    %swap3A_15 = vector.shape_cast %get3A_9 : vector<256x128xi32> to vector<256x1x128xi32>
    tpu.vector_store %arg4[%swap3A_10, %swap3A_11, %swap3A_12], %swap3A_15 {strides = array<i32>} : memref<256x3x128xi32, #tpu.memory_space<vmem>>, vector<256x1x128xi32>,
    %get3A_16 = arith.constant 0 : index
    %get3A_17 = arith.constant 0 : index
    %get3A_18 = vector.load %arg3[%get3A_16, %get3A_17] : memref<256x128xi32, #tpu.memory_space<vmem>>, vector<256x128xi32>
    %add3A = arith.constant 200 : i32
    %add3A_19 = vector.broadcast %add3A : i32 to vector<256x128xi32>
    %add3A_20 = arith.addi %get3A_18, %add3A_19 : vector<256x128xi32>
    %swap3A_21 = arith.constant 0 : index
    %swap3A_22 = arith.constant 2 : index
    %swap3A_23 = arith.constant 0 : index
    %swap3A_24 = vector.load %arg4[%swap3A_21, %swap3A_22, %swap3A_23] : memref<256x3x128xi32, #tpu.memory_space<vmem>>, vector<256x1x128xi32>
    %swap3A_25 = vector.shape_cast %swap3A_24 : vector<256x1x128xi32> to vector<256x128xi32>
    %swap3A_26 = vector.shape_cast %add3A_20 : vector<256x128xi32> to vector<256x1x128xi32>
    tpu.vector_store %arg4[%swap3A_21, %swap3A_22, %swap3A_23], %swap3A_26 {strides = array<i32>} : memref<256x3x128xi32, #tpu.memory_space<vmem>>, vector<256x1x128xi32>,
    return
  }
  func.func @transform_0(%arg0: i32) -> (i32, i32) {
    %c0_i32 = arith.constant 0 : i32
    %c0_i32_0 = arith.constant 0 : i32
    return %arg0, %c0_i32 : i32, i32
  }
  func.func @transform_1(%arg0: i32) -> (i32, i32) {
    %c0_i32 = arith.constant 0 : i32
    %c0_i32_0 = arith.constant 0 : i32
    return %arg0, %c0_i32 : i32, i32
  }
  func.func @transform_2(%arg0: i32) -> (i32, i32) {
    %c0_i32 = arith.constant 0 : i32
    %c0_i32_0 = arith.constant 0 : i32
    return %arg0, %c0_i32 : i32, i32
  }
  func.func @transform_3(%arg0: i32) -> (i32, i32, i32) {
    %c0_i32 = arith.constant 0 : i32
    %c0_i32_0 = arith.constant 0 : i32
    %c0_i32_1 = arith.constant 0 : i32
    return %arg0, %c0_i32, %c0_i32_0 : i32, i32, i32
  }
}

module attributes {stable_mosaic.version = 14 : i64} {
  func.func @_colrow_body(%arg0: memref<200x64xf32, #tpu.memory_space<vmem>>, %arg1: memref<200x64xf32, #tpu.memory_space<vmem>>, %arg2: memref<64x128xf32, #tpu.memory_space<vmem>>, %arg3: memref<64x128xf32, #tpu.memory_space<vmem>>, %arg4: memref<1x128xf32, #tpu.memory_space<vmem>>, %arg5: memref<400x128xf32, #tpu.memory_space<vmem>>) attributes {dimension_semantics = [], scalar_prefetch = 0 : i64, scratch_operands = 0 : i64, tpu.core_type = #tpu.core_type<tc>} {
    %get3A = arith.constant 0 : index
    %get3A_0 = arith.constant 0 : index
    %get3A_1 = vector.load %arg0[%get3A, %get3A_0] : memref<200x64xf32, #tpu.memory_space<vmem>>, vector<200x64xf32>
    %get3A_2 = arith.constant 0 : index
    %get3A_3 = arith.constant 0 : index
    %get3A_4 = vector.load %arg2[%get3A_2, %get3A_3] : memref<64x128xf32, #tpu.memory_space<vmem>>, vector<64x128xf32>
    %dot_general3A = arith.constant dense<0.000000e+00> : vector<200x128xf32>
    %dot_general3A_5 = tpu.matmul %get3A_1, %get3A_4, %dot_general3A {dimension_numbers = #tpu.dot_dimension_numbers<[1], [0], [0], [1], [0, 0, 1, 1], [], []>, transpose_lhs_hint = false} : vector<200x64xf32>, vector<64x128xf32>, vector<200x128xf32> -> vector<200x128xf32>
    %swap3A = arith.constant 0 : index
    %swap3A_6 = arith.constant 0 : index
    %swap3A_7 = vector.load %arg5[%swap3A, %swap3A_6] : memref<400x128xf32, #tpu.memory_space<vmem>>, vector<200x128xf32>
    tpu.vector_store %arg5[%swap3A, %swap3A_6], %dot_general3A_5 {strides = array<i32>} : memref<400x128xf32, #tpu.memory_space<vmem>>, vector<200x128xf32>,
    %get3A_8 = arith.constant 0 : index
    %get3A_9 = arith.constant 0 : index
    %get3A_10 = vector.load %arg1[%get3A_8, %get3A_9] : memref<200x64xf32, #tpu.memory_space<vmem>>, vector<200x64xf32>
    %get3A_11 = arith.constant 0 : index
    %get3A_12 = arith.constant 0 : index
    %get3A_13 = vector.load %arg3[%get3A_11, %get3A_12] : memref<64x128xf32, #tpu.memory_space<vmem>>, vector<64x128xf32>
    %dot_general3A_14 = arith.constant dense<0.000000e+00> : vector<200x128xf32>
    %dot_general3A_15 = tpu.matmul %get3A_10, %get3A_13, %dot_general3A_14 {dimension_numbers = #tpu.dot_dimension_numbers<[1], [0], [0], [1], [0, 0, 1, 1], [], []>, transpose_lhs_hint = false} : vector<200x64xf32>, vector<64x128xf32>, vector<200x128xf32> -> vector<200x128xf32>
    %get3A_16 = arith.constant 0 : index
    %get3A_17 = arith.constant 0 : index
    %get3A_18 = vector.load %arg4[%get3A_16, %get3A_17] : memref<1x128xf32, #tpu.memory_space<vmem>>, vector<1x128xf32>
    %add3A = vector.broadcast %get3A_18 : vector<1x128xf32> to vector<200x128xf32>
    %add3A_19 = arith.addf %dot_general3A_15, %add3A : vector<200x128xf32>
    %swap3A_20 = arith.constant 200 : index
    %swap3A_21 = arith.constant 0 : index
    %swap3A_22 = vector.load %arg5[%swap3A_20, %swap3A_21] : memref<400x128xf32, #tpu.memory_space<vmem>>, vector<200x128xf32>
    tpu.vector_store %arg5[%swap3A_20, %swap3A_21], %add3A_19 {strides = array<i32>} : memref<400x128xf32, #tpu.memory_space<vmem>>, vector<200x128xf32>,
    return
  }
}

</mosaic_0001>

<sc_bundles>
// kernel: kernel.6.cloned.1.call-start
scs
__scs_entry_jumppad:
0x0: {  	(pc) =	sbr.rel $0x88, $3  }
0x1: {  	(tag) =	ssettag $0x0;
	lr =	simm.s32 $0x1  }
0x2: {  	[smem:$0x3F99] =	sst lr;
	_ =	strace $0xD0000000  }
0x3: {  	_ = 	snop  }
0x4: {  	_ = 	snop  }
0x5: {  	_ = 	snop  }
0x6: {  	_ = 	snop  }
0x7: {  	_ = 	snop  }
__scs_overlays_trampoline_lowered:
0x8: {  	[smem:$0x3FA8] =	sst s0  }
0x9: {  	[smem:$0x3FA9] =	sst s1  }
0xa: {  	[smem:$0x3FAA] =	sst s2  }
0xb: {  	[smem:$0x3FAB] =	sst s3  }
0xc: {  	[smem:$0x3FAC] =	sst s4  }
0xd: {  	[smem:$0x3FAD] =	sst s5  }
0xe: {  	[smem:$0x3FAE] =	sst s6  }
0xf: {  	[smem:$0x3FAF] =	sst s7  }
0x10: {  	[smem:$0x3FB0] =	sst s8  }
0x11: {  	[smem:$0x3FB1] =	sst s9;
	s0 =	simm.s32 @!p0 $0x0  }
0x12: {  	s1 =	sld [smem:$0x3F97];
	s0 =	simm.s32 @p0 $0x1  }
0x13: {  	[smem:$0x3FB2] =	sst s0;
	s0 =	simm.s32 @!p1 $0x0  }
0x14: {  	s2 =	sld [smem:$0x3F96];
	s0 =	simm.s32 @p1 $0x1  }
0x15: {  	[smem:$0x3FB3] =	sst s0;
	s0 =	simm.s32 @!p2 $0x0  }
0x16: {  	s3 =	sld [smem:$0x3FDB];
	s0 =	simm.s32 @p2 $0x1  }
0x17: {  	s4 =	simm.s32 $0x1BF5;
	[smem:$0x3FB5] =	sst s0  }
0x18: {  	s0 =	sld [smem:$0x3F98];
	_ =	swait.ge [sflag:s4], $0x0  }
0x19: {  	s7 =	sld [smem:$0x3F99]  }
0x1a: {  	s8 =	sadd.s32 $0xFFFFE003, lr  }
0x1b: {  	s9 =	sadd.s32 $0xFFFFFEF7, lr;
	s5 =	simm.s32 $0xFFFFFFFF;
	p2 =	slt.u32 s8, $0xFFFFF086  }
0x1c: {  	p1 =	slt.u32 s9, $0xF7A;
	s5 =	simm.s32 @!p2 $0x0  }
0x1d: {  	s5 =	simm.s32 @p1 $0x1;
	p0 =	seq.s32 s7, s2  }
0x1e: {  	s7 =	smul.u32 @!p0 $0xF7A, s2;
	p2 =	seq.s32 @!p0 s5, $0x0  }
0x1f: {  	s9 =	smul.u32 $0xF7A, s1;
	s8 =	simm.s32 @!p0 $0x1BF5;
	p2 =	por !p2, p0  }
0x20: {  	[sflag:s8] =	ssyncset.s32 @!p0 $0xFFFFF086;
	s6 =	sadd.s32 @!p0 s3, s7;
	s7 =	simm.s32 @!p0 $0x108  }
0x21: {  	s3 =	sadd.s32 s3, s9;
	s6 =	sadd.s32 @!p0 $0x88, s6;
	s7 =	simm.s32 @p2 $0x1082  }
0x22: {  	[simem:s7], [sflag:s8] =	dma.local @!p0 [hbm:s6], $0xF7A  }
0x23: {  	s9 =	sor.u32 $0xD0000000, s2;
	s6 =	simm.s32 $0x108;
	_ =	swait.ge @!p0 [sflag:s8], $0x0  }
0x24: {  	s3 =	sadd.s32 $0x88, s3;
	s6 =	simm.s32 @!p1 $0x1082;
	[sflag:s4] =	ssyncset.s32 $0xFFFFF086  }
0x25: {  	[simem:s6], [sflag:s4] =	dma.local [hbm:s3], $0xF7A  }
0x26: {  	[smem:$0x3F99] =	sst s1;
	(tag) =	ssettag s2;
	_ =	strace s9  }
0x27: {  	s1 =	sld [smem:$0x3FA9]  }
0x28: {  	s2 =	sld [smem:$0x3FAA]  }
0x29: {  	s4 =	sld [smem:$0x3FAC]  }
0x2a: {  	p0 =	seq.s32 s5, $0x0;
	s5 =	sld [smem:$0x3FAD]  }
0x2b: {  	s6 =	sld [smem:$0x3FAE]  }
0x2c: {  	s7 =	sld [smem:$0x3FAF]  }
0x2d: {  	s3 =	simm.s32 $0x108;
	s8 =	sld [smem:$0x3FB0]  }
0x2e: {  	s3 =	simm.s32 @!p0 $0x1082;
	s9 =	sld [smem:$0x3FB1]  }
0x2f: {  	lr =	sadd.s32 s0, s3;
	s0 =	sld [smem:$0x3FA8]  }
0x30: {  	s3 =	sld [smem:$0x3FAB]  }
0x31: {  	[smem:$0x3FB4] =	sst s10  }
0x32: {  	s10 =	sld [smem:$0x3FB2];
	_ =	sdelay $0x3  }
0x33: {  	p0 =	seq.s32 s10, $0x1;
	s10 =	sld [smem:$0x3FB4];
	_ =	sdelay $0x3  }
0x34: {  	[smem:$0x3FB4] =	sst s10  }
0x35: {  	s10 =	sld [smem:$0x3FB3];
	_ =	sdelay $0x3  }
0x36: {  	p1 =	seq.s32 s10, $0x1;
	s10 =	sld [smem:$0x3FB4];
	_ =	sdelay $0x3  }
0x37: {  	[smem:$0x3FB4] =	sst s10  }
0x38: {  	s10 =	sld [smem:$0x3FB5]  }
0x39: {  	_ = 	snop;
	(pc) =	sbr.ind lr, $3  }
0x3a: {  	_ = 	snop  }
0x3b: {  	_ = 	snop  }
0x3c: {  	p2 =	seq.s32 s10, $0x1;
	s10 =	sld [smem:$0x3FB4]  }
0x3d: {  	_ =	shalt  }
0x3e: {  	_ =	shalt  }
0x3f: {  	_ =	shalt  }
0x40: {  	_ =	shalt  }
0x41: {  	_ =	shalt  }
0x42: {  	_ =	shalt  }
0x43: {  	_ =	shalt  }
0x44: {  	_ =	shalt  }
0x45: {  	_ =	shalt  }
0x46: {  	_ =	shalt  }
0x47: {  	_ =	shalt  }
0x48: {  	_ =	shalt  }
0x49: {  	_ =	shalt  }
0x4a: {  	_ =	shalt  }
0x4b: {  	_ =	shalt  }
0x4c: {  	_ =	shalt  }
0x4d: {  	_ =	shalt  }
0x4e: {  	_ =	shalt  }
0x4f: {  	_ =	shalt  }
0x50: {  	_ =	shalt  }
0x51: {  	_ =	shalt  }
0x52: {  	_ =	shalt  }
0x53: {  	_ =	shalt  }
0x54: {  	_ =	shalt  }
0x55: {  	_ =	shalt  }
0x56: {  	_ =	shalt  }
0x57: {  	_ =	shalt  }
0x58: {  	_ =	shalt  }
0x59: {  	_ =	shalt  }
0x5a: {  	_ =	shalt  }
0x5b: {  	_ =	shalt  }
0x5c: {  	_ =	shalt  }
0x5d: {  	_ =	shalt  }
0x5e: {  	_ =	shalt  }
0x5f: {  	_ =	shalt  }
0x60: {  	_ =	shalt  }
0x61: {  	_ =	shalt  }
0x62: {  	_ =	shalt  }
0x63: {  	_ =	shalt  }
0x64: {  	_ =	shalt  }
0x65: {  	_ =	shalt  }
0x66: {  	_ =	shalt  }
0x67: {  	_ =	shalt  }
0x68: {  	_ =	shalt  }
0x69: {  	_ =	shalt  }
0x6a: {  	_ =	shalt  }
0x6b: {  	_ =	shalt  }
0x6c: {  	_ =	shalt  }
0x6d: {  	_ =	shalt  }
0x6e: {  	_ =	shalt  }
0x6f: {  	_ =	shalt  }
0x70: {  	_ =	shalt  }
0x71: {  	_ =	shalt  }
0x72: {  	_ =	shalt  }
0x73: {  	_ =	shalt  }
0x74: {  	_ =	shalt  }
0x75: {  	_ =	shalt  }
0x76: {  	_ =	shalt  }
0x77: {  	_ =	shalt  }
0x78: {  	_ =	shalt  }
0x79: {  	_ =	shalt  }
0x7a: {  	_ =	shalt  }
0x7b: {  	_ =	shalt  }
0x7c: {  	_ =	shalt  }
0x7d: {  	_ =	shalt  }
0x7e: {  	_ =	shalt  }
0x7f: {  	_ =	shalt  }
0x80: {  	_ =	shalt  }
0x81: {  	_ =	shalt  }
0x82: {  	_ =	shalt  }
0x83: {  	_ =	shalt  }
0x84: {  	_ =	shalt  }
0x85: {  	_ =	shalt  }
0x86: {  	_ =	shalt  }
0x87: {  	_ =	shalt  }
.Lfunc_end0:
.L_simem_size_0:
called_computation_lowered:
.L_overlay_start_0:
0x88: {  	s2 =	sld [smem:$0x3FD9]  }
0x89: {  	s3 =	sld [smem:$0x3FFE];
	_ =	sdelay $0x1  }
0x8a: {  	s1 =	srdreg.scid  }
0x8b: {  	s0 =	sand.u32 $0x1, s1  }
0x8c: {  	s17 =	sshll.u32 s0, $0xA;
	s2 =	sadd.s32 s3, s2  }
0x8d: {  	s2 =	sadd.s32 s2, s17  }
0x8e: {  	[smem:$0x3FC0] =	sst s2  }
0x8f: {  	_ = 	snop  }
0x90: {  	s2 =	sld [smem:$0x3FD0];
	(tm) =	ssettm $0x1  }
0x91: {  	s18 =	sld [smem:$0x3FFB];
	_ =	sdelay $0x3  }
0x92: {  	_ =	strace s18  }
0x93: {  	s3 =	sld [smem:$0x3FFC];
	_ =	sdelay $0x3  }
0x94: {  	_ =	strace s3  }
0x95: {  	s3 =	sld [smem:$0x3FFD];
	_ =	sdelay $0x3  }
0x96: {  	_ =	strace s3  }
0x97: {  	_ =	strace $0x8FFFFFFF  }
0x98: {  	s19 =	sld [smem:$0x3FDB];
	_ =	sdelay $0x1  }
0x99: {  	s4 =	simm.s32 $_scs_section_size  }
0x9a: {  	s5 =	simm.s32 $_size__tile_overlayer_lowered;
	s6 =	simm.s32 $_tile_overlayer_lowered  }
0x9b: {  	s22 =	simm.s32 $0x1BFF;
	s21 =	sshll.u32 s6, $0x1;
	s3 =	sadd.s32 s4, s19  }
0x9c: {  	s7 =	simm.s32 $0x0;
	s20 =	sshll.u32 s5, $0x1;
	s5 =	sadd.s32 s21, s3  }
0x9d: {  	[timem:s7], [sflag:s22] =	dma.local [hbm:s5], s20  }
0x9e: {  	_ =	swait.ge [sflag:s22], s20  }
0x9f: {  	s4 =	ssub.s32 $0x0, s20;
	[sflag:s22] =	ssyncset.done $0x0  }
0xa0: {  	[sflag:s22] =	ssyncadd.s32 s4;
	_ =	sdelay $0x1  }
0xa1: {  	s23 =	simm.s32 $0x1B8B  }
0xa2: {  	_ =	swait.ge [sflag:s23], $0x1  }
0xa3: {  	[sflag:s23] =	ssyncset.done $0x0  }
0xa4: {  	s25 =	simm.s32 $0x1B8E;
	s24 =	sld [smem:$0x3FFE];
	[sflag:s23] =	ssyncadd.s32 $0xFFFFFFFF  }
0xa5: {  	s26 =	simm.s32 $execute0_lowered;
	[smem:$0x3FD2] =	sst s25  }
0xa6: {  	s5 =	sshll.u32 s26, $0x1;
	_ =	strace $0x80000046;
	[dreg:$0x1] =	wrdreg $0xFFFFFFFF  }
0xa7: {  	s28 =	simm.s32 $_size_execute0_lowered;
	s3 =	sadd.s32 s3, s5;
	[dreg:$0x0] =	wrdreg $0x0  }
0xa8: {  	s5 =	sshll.u32 s28, $0x1;
	[dreg:$0x2] =	wrdreg s3  }
0xa9: {  	[dreg:$0x3] =	wrdreg s5  }
0xaa: {  	[dreg:$0x4] =	wrdreg $0xC0  }
0xab: {  	_ =	task [dreg:s7], $0x5FFFF  }
0xac: {  	[dreg:$0x1] =	wrdreg $0xFFFFFFFF  }
0xad: {  	[dreg:$0x0] =	wrdreg $0x60  }
0xae: {  	[dreg:$0x2] =	wrdreg s24  }
0xaf: {  	[dreg:$0x3] =	wrdreg s2  }
0xb0: {  	[dreg:$0x4] =	wrdreg $0xC000  }
0xb1: {  	[dreg:$0x5] =	wrdreg $0x9  }
0xb2: {  	_ =	task.clear_ibuf [dreg:s7], $0x6FFFF;
	_ =	strace $0x90000046  }
0xb3: {  	s29 =	simm.s32 $0x9;
	_ =	strace $0x80000048  }
0xb4: {  	_ =	swait.ge [sflag:s29], $0x1  }
0xb5: {  	[sflag:s29] =	ssyncadd.s32 $0xFFFFFFFF  }
0xb6: {  	_ =	strace $0x90000048  }
0xb7: {  	_ =	sfence  }
0xb8: {  	s30 =	sld [smem:$0x0];
	_ =	sdelay $0x2  }
0xb9: {  	s31 =	sshll.u32 s1, $0xD;
	s1 =	sshrl.u32 s1, $0x2  }
0xba: {  	s3 =	sand.u32 $0x4000, s31;
	s1 =	sadd.s32 s1, s30  }
0xbb: {  	s0 =	sor.u32 s3, s0;
	s1 =	sshll.u32 s1, $0x11  }
0xbc: {  	s0 =	sor.u32 s1, s0  }
0xbd: {  	s0 =	sadd.s32 $0x8F2B, s0  }
0xbe: {  	[sflag:s0] =	ssyncadd.remote.s32 $0x1  }
0xbf: {  	_ =	sfence.sel $0xFFFF  }
0xc0: {  	[dreg:$0x0] =	wrdreg $0xFFFFFFFF;
	(pc) =	sbr.abs _section_cstart, $3  }
0xc1: {  	[dreg:$0x1] =	wrdreg $0xFFFFFFFF  }
0xc2: {  	_ =	task.clear_ibuf [dreg:s7], $0x2FFFF;
	_ =	strace $0x9FFFFFFF  }
0xc3: {  	(tm) =	ssettm $0x7FFFFFFF  }
tec
execute0_lowered:
.L_overlay_start_1:
0x0: {  	(tag) =	ssettag $0x1  }
0x1: {  	s0 =	rddreg [dreg:$0x0]  }
0x2: {  	s1 =	rddreg [dreg:$0x1]  }
0x3: {  	s2 =	rddreg [dreg:$0x2]  }
0x4: {  	s3 =	simm.s32 $0x0;
	s4 =	srdreg.scid;
	s5 =	stileid.u32  }
0x5: {  	p1 =	por $0x1, $0x1;
	s28 =	simm.s32 $0x80;
	s29 =	simm.s32 $0x1880  }
0x6: {  	s14 =	simm.s32 $0xD880;
	s30 =	simm.s32 $0x14;
	s12 =	smul.u32 $0x640000, s5  }
0x7: {  	[smem:$0x7FF] =	sst s3;
	s7 =	sand.u32 $0x1, s4;
	s22 =	smul.u32 $0x6400, s5  }
0x8: {  	s15 =	sshll.u32 s5, $0x1;
	s8 =	sadd.s32 $0x187A00, s0;
	s25 =	smul.u32 $0xC8000, s5  }
0x9: {  	s4 =	sadd.s32 $0x1000, s0;
	s11 =	sadd.s32 $0x1EBA00, s0;
	s18 =	smul.u32 $0x320000, s7  }
0xa: {  	p0 =	sne.s32 s5, $0x0;
	s5 =	simm.s32 $0x5880;
	s24 =	smul.u32 $0x3200, s7  }
0xb: {  	s6 =	sor.u32 s7, s15;
	s9 =	ssub.s32 $0x2, s7;
	s7 =	smul.u32 $0x64000, s7  }
0xc: {  	_ =	strace $0x80000047;
	[dreg:$0x4] =	wrdreg s11;
	s10 =	smul.u32 $0x3200, s6  }
0xd: {  	s15 =	simm.s32 $0x8;
	s16 =	sshrl.u32 s9, $0x1;
	s6 =	smul.u32 $0xC8, s6  }
0xe: {  	s26 =	sadd.s32 s25, s1;
	s11 =	ssub.s32 s9, s16;
	s9 =	sadd.s32 $0x187A80, s0  }
0xf: {  	s0 =	sadd.s32 s18, s12;
	s31 =	sadd.s32 s7, s26;
	s26 =	simm.s32 $0x1  }
0x10: {  	s13 =	sadd.s32 s8, s10;
	s10 =	sadd.s32 s10, s9;
	[dreg:$0xf] =	wrdreg s31  }
0x11: {  	s7 =	simm.s32 $0x15880;
	s12 =	simm.s32 $0x13;
	[dreg:$0x7] =	wrdreg s10  }
0x12: {  	s11 =	smax.u32 s11, $0x1;
	s23 =	sor.u32 $0x4000, s0;
	[dreg:$0x5] =	wrdreg s13  }
0x13: {  	s8 =	sadd.s32 s22, s8;
	s0 =	sadd.s32 $0xFFFF0000, s0;
	[dreg:$0xb] =	wrdreg s11  }
0x14: {  	s22 =	simm.s32 $0xE;
	s17 =	sadd.s32 $0x40, s13;
	[dreg:$0xe] =	wrdreg s0  }
0x15: {  	s19 =	sadd.s32 $0xC0, s13;
	s20 =	sadd.s32 $0x100, s13;
	[dreg:$0x6] =	wrdreg s17  }
0x16: {  	s21 =	sadd.s32 $0x140, s13;
	s11 =	sshrl.u32 s23, $0x3;
	[dreg:$0x8] =	wrdreg s19  }
.Ltmp0:
0x17: {  	s8 =	sadd.s32 s24, s8;
	[dreg:$0x9] =	wrdreg s20;
	(pc) =	sbr.rel .LBB2_1-.Ltmp0, $4  }
0x18: {  	s13 =	smov.u32 s1;
	s0 =	sshrl.u32 @!p0 s2, $0x3;
	[dreg:$0xa] =	wrdreg s21  }
0x19: {  	s23 =	simm.s32 $0xD;
	s11 =	sadd.s32 s11, s1;
	[dreg:$0x10] =	wrdreg s0  }
0x1a: {  	s10 =	simm.s32 $0x0;
	s8 =	sadd.s32 $0x1C0, s8;
	[dreg:$0xc] =	wrdreg s11  }
0x1b: {  	s1 =	simm.s32 $0x9880;
	[dreg:$0xd] =	wrdreg s8;
	s11 =	simm.s32 $0x7  }
.LBB2_30:
0x1c: {  	s8 =	simm.s32 $0x1A  }
0x1d: {  	_ =	swait.ge [sflag:s8], $0x4000  }
0x1e: {  	s10 =	rddreg [dreg:$0x11]  }
0x1f: {  	s0 =	rddreg [dreg:$0xb];
	s10 =	sadd.s32 $0x1, s10  }
0x20: {  	p2 =	sne.s32 s10, s0  }
.Ltmp1:
0x21: {  	_ = 	snop;
	(pc) =	sbr.rel @!p2 .LBB2_31-.Ltmp1, $3  }
0x22: {  	_ =	sdelay $0x1  }
0x23: {  	[sflag:s8] =	ssyncset.done $0x0  }
0x24: {  	[sflag:s8] =	ssyncadd.s32 $0xFFFFC000  }
.LBB2_1:
0x25: {  	[dreg:$0x11] =	wrdreg s10  }
0x26: {  	s0 =	rddreg [dreg:$0x4]  }
0x27: {  	s8 =	simm.s32 @!p0 $0x1C1F;
	s10 =	rddreg [dreg:$0x10]  }
0x28: {  	[spmem:s10], [sflag:s8] =	dma.local @!p0 [hbm:s0], $0x1900  }
0x29: {  	s8 =	simm.s32 @!p0 $0x1F  }
0x2a: {  	_ =	swait.ge @!p0 [sflag:s8], $0x1900  }
0x2b: {  	[sflag:s8] =	ssyncset.done @!p0 $0x0  }
0x2c: {  	[sflag:s8] =	ssyncadd.s32 @!p0 $0xFFFFE700  }
0x2d: {  	[bflag:$0x0] =	sbarrier.arrive $0xFFFF  }
0x2e: {  	s8 =	rddreg [dreg:$0x5]  }
0x2f: {  	s10 =	rddreg [dreg:$0x6]  }
0x30: {  	s17 =	rddreg [dreg:$0x7]  }
0x31: {  	s19 =	rddreg [dreg:$0x8]  }
0x32: {  	[tilespmem:s3], [sflag:$0x1] =	stream.linear.gather [hbm4b:s8+s3], $0x180, $0x38;
	[tilespmem:$0x19880] =	vst v63  }
0x33: {  	s16 =	simm.s32 $0x200;
	s21 =	rddreg [dreg:$0x9]  }
0x34: {  	[tilespmem:s16], [sflag:$0x2] =	stream.linear.gather [hbm4b:s10+s3], $0x180, $0x38;
	[tilespmem:$0x19880] =	vst v63  }
0x35: {  	s18 =	simm.s32 $0x400;
	s25 =	rddreg [dreg:$0xa]  }
0x36: {  	[tilespmem:s18], [sflag:$0x3] =	stream.linear.gather [hbm4b:s17+s3], $0x180, $0x38;
	[tilespmem:$0x19880] =	vst v63  }
0x37: {  	s20 =	simm.s32 $0x600;
	s16 =	rddreg [dreg:$0xc]  }
0x38: {  	[tilespmem:s20], [sflag:$0x4] =	stream.linear.gather [hbm4b:s19+s3], $0x180, $0x38;
	[tilespmem:$0x19880] =	vst v63  }
.Ltmp2:
0x39: {  	s24 =	simm.s32 $0x800;
	s20 =	rddreg [dreg:$0xd];
	(pc) =	sbr.rel .LBB2_2-.Ltmp2, $4  }
0x3a: {  	[tilespmem:s24], [sflag:$0x5] =	stream.linear.gather [hbm4b:s21+s3], $0x180, $0x38;
	[tilespmem:$0x19880] =	vst v63  }
0x3b: {  	s31 =	simm.s32 $0xA00;
	s24 =	rddreg [dreg:$0xf]  }
0x3c: {  	s10 =	simm.s32 $0x0;
	s19 =	simm.s32 $0x4;
	s21 =	rddreg [dreg:$0xe]  }
0x3d: {  	[tilespmem:s31], [sflag:$0x6] =	stream.linear.gather [hbm4b:s25+s3], $0x180, $0x38;
	[tilespmem:$0x19880] =	vst v63  }
.LBB2_28:
0x3e: {  	s0 =	sadd.s32 s6, s8  }
0x3f: {  	s0 =	sshll.u32 s0, $0x6  }
0x40: {  	s0 =	sadd.s32 s0, s9  }
0x41: {  	[tilespmem:s3], [sflag:$0x1] =	stream.linear.gather [hbm4b:s0+s3], $0x180, $0x38;
	[tilespmem:$0x19880] =	vst v63  }
0x42: {  	s0 =	simm.s32 @p4 $0x1E  }
0x43: {  	_ =	swait.ge @p4 [sflag:s0], $0x4000  }
0x44: {  	[sflag:s0] =	ssyncset.done @p4 $0x0  }
0x45: {  	s8 =	simm.s32 $0x6;
	[sflag:s0] =	ssyncadd.s32 @p4 $0xFFFFC000  }
0x46: {  	_ =	swait.ge [sflag:s8], $0x180  }
0x47: {  	[sflag:s8] =	ssyncset.done $0x0  }
0x48: {  	s17 =	simm.s32 $0xA00;
	s18 =	simm.s32 $0xA;
	[sflag:s8] =	ssyncadd.s32 $0xFFFFFE80  }
0x49: {  	[tilespmem:s7], [sflag:$0xC] =	stream.indirect.gather [hbm4b:s4+s28], $0x80, s17, s28, $0xb8;
	[tilespmem:$0x19880] =	vst v63  }
0x4a: {  	_ =	swait.ge [sflag:s18], $0x4000  }
0x4b: {  	[sflag:s18] =	ssyncset.done $0x0  }
0x4c: {  	s25 =	simm.s32 $0x680;
	[sflag:s18] =	ssyncadd.s32 $0xFFFFC000  }
0x4d: {  	[tilespmem:s14], [sflag:$0x10] =	stream.indirect.gather.add.f32 [spmem:s2], $0x80, s25, s28, $0xb8;
	[tilespmem:$0x19880] =	vst v63  }
0x4e: {  	s31 =	simm.s32 $0x700  }
0x4f: {  	[tilespmem:s14], [sflag:$0x16] =	stream.indirect.gather.add.f32 [spmem:s2], $0x80, s31, s28, $0xb8;
	[tilespmem:$0x19880] =	vst v63  }
.LBB2_29:
0x50: {  	_ =	swait.ge [sflag:s22], $0x4000  }
0x51: {  	[sflag:s22] =	ssyncset.done $0x0  }
0x52: {  	[sflag:s22] =	ssyncadd.s32 $0xFFFFC000  }
0x53: {  	_ =	swait.ge [sflag:s30], $0x4000  }
0x54: {  	[sflag:s30] =	ssyncset.done $0x0  }
0x55: {  	s0 =	simm.s32 @p3 $0x0;
	s8 =	simm.s32 @p3 $0x200;
	[sflag:s30] =	ssyncadd.s32 $0xFFFFC000  }
0x56: {  	[hbm4b:s16+s3] =	stream.linear.scatter [tilespmem:s5], [sflag:$0x1A], $0x4000, $0x38;
	[tilespmem:$0x19880] =	vst v63  }
0x57: {  	s10 =	sadd.s32 $0x1, s10;
	s19 =	sadd.s32 $0x6, s19;
	s21 =	sadd.s32 $0x18000, s21  }
0x58: {  	[tilespmem:s8], [sflag:$0x2] =	stream.linear.gather @p3 [hbm4b:s20+s0], $0x180, $0x38;
	[tilespmem:$0x19880] =	vst v63  }
0x59: {  	s24 =	sadd.s32 $0x3000, s24;
	s16 =	sadd.s32 $0x3000, s16;
	s20 =	sadd.s32 $0x180, s20  }
.LBB2_2:
0x5a: {  	s8 =	sadd.s32 $0xFFFFFFF6, s19;
	p3 =	seq.s32 s19, $0xD0  }
.Ltmp3:
0x5b: {  	p2 =	sgt.u32 s8, $0xC7;
	(pc) =	sbr.rel @p3 .LBB2_30-.Ltmp3, $4  }
0x5c: {  	s8 =	simm.s32 @!p2 $0x19  }
0x5d: {  	_ =	swait.ge @!p2 [sflag:s8], $0x4000  }
0x5e: {  	[sflag:s8] =	ssyncset.done @!p2 $0x0  }
0x5f: {  	[sflag:s8] =	ssyncadd.s32 @!p2 $0xFFFFC000  }
0x60: {  	_ =	swait.ge [sflag:s26], $0x180;
	s31 =	sadd.s32 $0xFFFFFFFA, s19  }
0x61: {  	[sflag:s26] =	ssyncset.done $0x0;
	p2 =	sgt.u32 s31, $0xC7  }
0x62: {  	[sflag:s26] =	ssyncadd.s32 $0xFFFFFE80;
	s8 =	simm.s32 @!p2 $0xB  }
0x63: {  	[tilespmem:s29], [sflag:$0x7] =	stream.indirect.gather [hbm4b:s4+s28], $0x80, s3, s28, $0xb8;
	[tilespmem:$0x19880] =	vst v63  }
0x64: {  	_ =	swait.ge @!p2 [sflag:s8], $0x4000  }
0x65: {  	s17 =	simm.s32 @!p2 $0x880;
	[sflag:s8] =	ssyncset.done @!p2 $0x0  }
0x66: {  	s25 =	simm.s32 @!p2 $0x11880;
	[sflag:s8] =	ssyncadd.s32 @!p2 $0xFFFFC000;
	s8 =	simm.s32 @!p2 $0x80  }
0x67: {  	[tilespmem:s25], [sflag:$0x11] =	stream.indirect.gather.add.f32 @!p2 [spmem:s2], $0x80, s17, s8, $0xb8;
	[tilespmem:$0x19880] =	vst v63  }
0x68: {  	s17 =	simm.s32 @!p2 $0x900  }
0x69: {  	[tilespmem:s25], [sflag:$0x17] =	stream.indirect.gather.add.f32 @!p2 [spmem:s2], $0x80, s17, s8, $0xb8;
	[tilespmem:$0x19880] =	vst v63  }
0x6a: {  	s8 =	sadd.s32 $0xFFFFFFF8, s19  }
0x6b: {  	p3 =	sgt.u32 s8, $0xC7  }
.Ltmp4:
0x6c: {  	_ = 	snop;
	(pc) =	sbr.rel @p3 .LBB2_6-.Ltmp4, $2  }
0x6d: {  	_ =	sdelay $0x2  }
0x6e: {  	s25 =	smul.u32 $0x6, s10  }
0x6f: {  	s0 =	simm.s32 $0xF  }
0x70: {  	_ =	swait.ge [sflag:s0], $0x4000  }
0x71: {  	p4 =	sgt.u32 s10, $0x20;
	[sflag:s0] =	ssyncset.done $0x0  }
.Ltmp5:
0x72: {  	s18 =	simm.s32 $0x15;
	[sflag:s0] =	ssyncadd.s32 $0xFFFFC000;
	(pc) =	sbr.rel @p4 .LBB2_8-.Ltmp5, $4  }
0x73: {  	_ =	swait.ge [sflag:s18], $0x4000  }
0x74: {  	s17 =	sshrl.u32 s21, $0x3;
	[sflag:s18] =	ssyncset.done $0x0  }
0x75: {  	s17 =	sadd.s32 s13, s17;
	[sflag:s18] =	ssyncadd.s32 $0xFFFFC000  }
0x76: {  	[hbm4b:s17+s3] =	stream.linear.scatter [tilespmem:s1], [sflag:$0x1B], $0x4000, $0x38;
	[tilespmem:$0x19880] =	vst v63  }
0x77: {  	s17 =	sadd.s32 $0xFFFFFEC0, s20;
	s0 =	simm.s32 $0x400  }
0x78: {  	[tilespmem:s0], [sflag:$0x3] =	stream.linear.gather [hbm4b:s17+s3], $0x180, $0x38;
	[tilespmem:$0x19880] =	vst v63  }
.LBB2_6:
0x79: {  	p4 =	sne.s32 s19, $0x4  }
.Ltmp6:
0x7a: {  	_ = 	snop;
	(pc) =	sbr.rel @p4 .LBB2_8-.Ltmp6, $1  }
0x7b: {  	_ =	sdelay $0x3  }
0x7c: {  	p4 =	slt.u32 s8, $0xC8  }
.Ltmp7:
0x7d: {  	s17 =	simm.s32 $0x2;
	(pc) =	sbr.rel @p4 .LBB2_13-.Ltmp7, $4  }
.Ltmp8:
0x7e: {  	_ =	swait.ge [sflag:s17], $0x180;
	(pc) =	sbr.rel @!p4 .LBB2_14-.Ltmp8, $4  }
0x7f: {  	[sflag:s17] =	ssyncset.done $0x0  }
0x80: {  	s0 =	simm.s32 $0x200;
	p3 =	por $0x0, $0x0;
	[sflag:s17] =	ssyncadd.s32 $0xFFFFFE80  }
0x81: {  	[tilespmem:s5], [sflag:$0x8] =	stream.indirect.gather [hbm4b:s4+s28], $0x80, s0, s28, $0xb8;
	[tilespmem:$0x19880] =	vst v63  }
0x82: {  	_ = 	snop  }
.LBB2_8:
0x83: {  	s0 =	simm.s32 $0x1A  }
0x84: {  	_ =	swait.ge [sflag:s0], $0x4000  }
0x85: {  	[sflag:s0] =	ssyncset.done $0x0  }
0x86: {  	s18 =	simm.s32 $0x2;
	[sflag:s0] =	ssyncadd.s32 $0xFFFFC000  }
0x87: {  	_ =	swait.ge [sflag:s18], $0x180  }
0x88: {  	[sflag:s18] =	ssyncset.done $0x0  }
0x89: {  	s17 =	simm.s32 $0x200;
	[sflag:s18] =	ssyncadd.s32 $0xFFFFFE80;
	s18 =	simm.s32 $0xC  }
0x8a: {  	[tilespmem:s5], [sflag:$0x8] =	stream.indirect.gather [hbm4b:s4+s28], $0x80, s17, s28, $0xb8;
	[tilespmem:$0x19880] =	vst v63  }
0x8b: {  	_ =	swait.ge [sflag:s18], $0x4000  }
0x8c: {  	[sflag:s18] =	ssyncset.done $0x0  }
0x8d: {  	s17 =	simm.s32 $0xA80;
	[sflag:s18] =	ssyncadd.s32 $0xFFFFC000  }
0x8e: {  	[tilespmem:s7], [sflag:$0x12] =	stream.indirect.gather.add.f32 [spmem:s2], $0x80, s17, s28, $0xb8;
	[tilespmem:$0x19880] =	vst v63  }
0x8f: {  	s18 =	simm.s32 $0xB00;
	s17 =	simm.s32 $0x10  }
0x90: {  	[tilespmem:s7], [sflag:$0x18] =	stream.indirect.gather.add.f32 [spmem:s2], $0x80, s18, s28, $0xb8;
	[tilespmem:$0x19880] =	vst v63  }
0x91: {  	_ =	swait.ge [sflag:s17], $0x4000  }
0x92: {  	p4 =	sgt.u32 s10, $0x20;
	[sflag:s17] =	ssyncset.done $0x0  }
.Ltmp9:
0x93: {  	s18 =	simm.s32 $0x16;
	[sflag:s17] =	ssyncadd.s32 $0xFFFFC000;
	(pc) =	sbr.rel @p4 .LBB2_10-.Ltmp9, $4  }
0x94: {  	s17 =	sadd.s32 $0x4000, s21;
	_ =	swait.ge [sflag:s18], $0x4000  }
0x95: {  	s17 =	sshrl.u32 s17, $0x3;
	[sflag:s18] =	ssyncset.done $0x0  }
0x96: {  	s17 =	sadd.s32 s13, s17;
	[sflag:s18] =	ssyncadd.s32 $0xFFFFC000  }
0x97: {  	[hbm4b:s17+s3] =	stream.linear.scatter [tilespmem:s14], [sflag:$0x1C], $0x4000, $0x38;
	[tilespmem:$0x19880] =	vst v63  }
0x98: {  	p4 =	slt.u32 s8, $0xC8  }
.Ltmp10:
0x99: {  	_ = 	snop;
	(pc) =	sbr.rel @p4 .LBB2_13-.Ltmp10, $4  }
.Ltmp11:
0x9a: {  	_ = 	snop;
	(pc) =	sbr.rel @!p4 .LBB2_14-.Ltmp11, $4  }
0x9b: {  	s17 =	sadd.s32 $0xFFFFFF00, s20;
	s0 =	simm.s32 $0x600  }
0x9c: {  	[tilespmem:s0], [sflag:$0x4] =	stream.linear.gather [hbm4b:s17+s3], $0x180, $0x38;
	[tilespmem:$0x19880] =	vst v63  }
0x9d: {  	p3 =	por $0x0, $0x0;
	s17 =	sadd.s32 $0xFFFFFFFE, s19  }
0x9e: {  	_ = 	snop  }
.LBB2_10:
.Ltmp12:
0x9f: {  	(pc) =	sbr.rel @p3 .LBB2_11-.Ltmp12, $1  }
0xa0: {  	_ =	sdelay $0x3  }
0xa1: {  	s17 =	sadd.s32 $0x2, s25  }
.LBB2_13:
0xa2: {  	p5 =	sgt.u32 s10, $0x20  }
.Ltmp13:
0xa3: {  	_ = 	snop;
	(pc) =	sbr.rel @p5 .LBB2_15-.Ltmp13, $4  }
0xa4: {  	s0 =	simm.s32 $0x1B  }
0xa5: {  	_ =	swait.ge [sflag:s0], $0x4000  }
0xa6: {  	[sflag:s0] =	ssyncset.done $0x0  }
0xa7: {  	p4 =	por $0x0, $0x0;
	p3 =	por $0x1, $0x1;
	[sflag:s0] =	ssyncadd.s32 $0xFFFFC000  }
.LBB2_14:
.Ltmp14:
0xa8: {  	s0 =	simm.s32 $0x3;
	(pc) =	sbr.rel .LBB2_15-.Ltmp14, $4  }
0xa9: {  	_ =	swait.ge [sflag:s0], $0x180  }
0xaa: {  	[sflag:s0] =	ssyncset.done $0x0  }
0xab: {  	s18 =	simm.s32 $0x400;
	p4 =	por $0x1, $0x1;
	[sflag:s0] =	ssyncadd.s32 $0xFFFFFE80  }
0xac: {  	[tilespmem:s1], [sflag:$0x9] =	stream.indirect.gather [hbm4b:s4+s28], $0x80, s18, s28, $0xb8;
	[tilespmem:$0x19880] =	vst v63  }
.LBB2_11:
0xad: {  	s17 =	sadd.s32 $0xFFFFFFFE, s19;
	p3 =	por $0x0, $0x0;
	p4 =	por $0x0, $0x0  }
.LBB2_15:
0xae: {  	_ =	swait.ge [sflag:s11], $0x4000  }
0xaf: {  	[sflag:s11] =	ssyncset.done $0x0  }
0xb0: {  	[sflag:s11] =	ssyncadd.s32 $0xFFFFC000  }
0xb1: {  	[tilespmem:s29], [sflag:$0xD] =	stream.indirect.gather.add.f32 [spmem:s2], $0x80, s28, s28, $0xb8;
	[tilespmem:$0x19880] =	vst v63  }
0xb2: {  	s0 =	simm.s32 $0x100;
	s8 =	simm.s32 @!p2 $0x11  }
0xb3: {  	[tilespmem:s29], [sflag:$0x13] =	stream.indirect.gather.add.f32 [spmem:s2], $0x80, s0, s28, $0xb8;
	[tilespmem:$0x19880] =	vst v63  }
0xb4: {  	_ =	swait.ge @!p2 [sflag:s8], $0x4000  }
0xb5: {  	[sflag:s8] =	ssyncset.done @!p2 $0x0  }
0xb6: {  	[sflag:s8] =	ssyncadd.s32 @!p2 $0xFFFFC000;
	s8 =	sadd.s32 @!p2 s6, s17  }
0xb7: {  	s18 =	simm.s32 @!p2 $0x17;
	s17 =	sshll.u32 @!p2 s8, $0xE  }
0xb8: {  	_ =	swait.ge @!p2 [sflag:s18], $0x4000;
	s17 =	sadd.s32 @!p2 $0xFFFF0000, s17  }
0xb9: {  	s0 =	simm.s32 @!p2 $0x11880;
	[sflag:s18] =	ssyncset.done @!p2 $0x0;
	s17 =	sshrl.u32 @!p2 s17, $0x3  }
0xba: {  	[sflag:s18] =	ssyncadd.s32 @!p2 $0xFFFFC000;
	s18 =	simm.s32 @!p2 $0x0;
	s17 =	sadd.s32 @!p2 s13, s17  }
0xbb: {  	[hbm4b:s17+s18] =	stream.linear.scatter @!p2 [tilespmem:s0], [sflag:$0x1D], $0x4000, $0x38;
	[tilespmem:$0x19880] =	vst v63  }
0xbc: {  	p2 =	por p2, !p4  }
.Ltmp15:
0xbd: {  	_ = 	snop;
	(pc) =	sbr.rel @p2 .LBB2_17-.Ltmp15, $1  }
0xbe: {  	_ =	sdelay $0x3  }
0xbf: {  	s0 =	sshll.u32 s8, $0x6  }
0xc0: {  	s31 =	simm.s32 $0x800;
	s0 =	sadd.s32 s0, s9  }
0xc1: {  	[tilespmem:s31], [sflag:$0x5] =	stream.linear.gather [hbm4b:s0+s3], $0x180, $0x38;
	[tilespmem:$0x19880] =	vst v63  }
0xc2: {  	s0 =	simm.s32 @p3 $0x1C  }
0xc3: {  	_ =	swait.ge @p3 [sflag:s0], $0x4000  }
0xc4: {  	p2 =	por @p3 $0x1, $0x1;
	[sflag:s0] =	ssyncset.done @p3 $0x0  }
0xc5: {  	p2 =	por @!p3 p1, p1;
	[sflag:s0] =	ssyncadd.s32 @p3 $0xFFFFC000  }
.LBB2_20:
0xc6: {  	s0 =	simm.s32 $0x4  }
0xc7: {  	_ =	swait.ge [sflag:s0], $0x180  }
0xc8: {  	s31 =	simm.s32 $0x600;
	[sflag:s0] =	ssyncset.done $0x0  }
0xc9: {  	s8 =	sadd.s32 $0xFFFFFFFF, s19;
	p5 =	por $0x1, $0x1;
	[sflag:s0] =	ssyncadd.s32 $0xFFFFFE80  }
0xca: {  	[tilespmem:s14], [sflag:$0xA] =	stream.indirect.gather [hbm4b:s4+s28], $0x80, s31, s28, $0xb8;
	[tilespmem:$0x19880] =	vst v63  }
.LBB2_21:
0xcb: {  	_ =	swait.ge [sflag:s15], $0x4000  }
.Ltmp16:
0xcc: {  	[sflag:s15] =	ssyncset.done $0x0;
	(pc) =	sbr.rel @!p2 .LBB2_25-.Ltmp16, $4  }
0xcd: {  	s0 =	simm.s32 $0x280;
	[sflag:s15] =	ssyncadd.s32 $0xFFFFC000  }
0xce: {  	[tilespmem:s5], [sflag:$0xE] =	stream.indirect.gather.add.f32 [spmem:s2], $0x80, s0, s28, $0xb8;
	[tilespmem:$0x19880] =	vst v63  }
0xcf: {  	s31 =	simm.s32 $0x300  }
0xd0: {  	[tilespmem:s5], [sflag:$0x14] =	stream.indirect.gather.add.f32 [spmem:s2], $0x80, s31, s28, $0xb8;
	[tilespmem:$0x19880] =	vst v63  }
0xd1: {  	s17 =	simm.s32 $0x12  }
0xd2: {  	_ =	swait.ge [sflag:s17], $0x4000  }
0xd3: {  	s0 =	sadd.s32 s6, s8;
	[sflag:s17] =	ssyncset.done $0x0  }
0xd4: {  	s18 =	simm.s32 $0x18;
	s8 =	sshll.u32 s0, $0xE;
	[sflag:s17] =	ssyncadd.s32 $0xFFFFC000  }
0xd5: {  	s31 =	simm.s32 $0x1D;
	s8 =	sadd.s32 $0xFFFF0000, s8;
	_ =	swait.ge [sflag:s18], $0x4000  }
0xd6: {  	s0 =	sshll.u32 @p5 s0, $0x6;
	s8 =	sshrl.u32 s8, $0x3;
	[sflag:s18] =	ssyncset.done $0x0  }
0xd7: {  	s0 =	sadd.s32 @p5 s0, s9;
	s8 =	sadd.s32 s13, s8;
	[sflag:s18] =	ssyncadd.s32 $0xFFFFC000  }
0xd8: {  	[hbm4b:s8+s3] =	stream.linear.scatter [tilespmem:s7], [sflag:$0x1E], $0x4000, $0x38;
	[tilespmem:$0x19880] =	vst v63  }
.Ltmp17:
0xd9: {  	s17 =	simm.s32 @p5 $0xA00;
	s8 =	simm.s32 @p5 $0x0;
	(pc) =	sbr.rel @!p5 .LBB2_24-.Ltmp17, $4  }
0xda: {  	[tilespmem:s17], [sflag:$0x6] =	stream.linear.gather @p5 [hbm4b:s0+s8], $0x180, $0x38;
	[tilespmem:$0x19880] =	vst v63  }
0xdb: {  	_ =	swait.ge [sflag:s31], $0x4000  }
0xdc: {  	[sflag:s31] =	ssyncset.done $0x0  }
0xdd: {  	[sflag:s31] =	ssyncadd.s32 $0xFFFFC000  }
.Ltmp18:
0xde: {  	(pc) =	sbr.rel .LBB2_26-.Ltmp18, $2  }
0xdf: {  	_ =	sdelay $0x2  }
0xe0: {  	s8 =	sadd.s32 $0x4, s25  }
.LBB2_17:
.Ltmp19:
0xe1: {  	(pc) =	sbr.rel @!p3 .LBB2_19-.Ltmp19, $2  }
0xe2: {  	_ =	sdelay $0x2  }
0xe3: {  	p2 =	slt.u32 s31, $0xC8;
	s8 =	sadd.s32 $0x3, s25  }
.Ltmp20:
0xe4: {  	(pc) =	sbr.rel @p4 .LBB2_20-.Ltmp20, $4  }
.Ltmp21:
0xe5: {  	s0 =	simm.s32 $0x1C;
	(pc) =	sbr.rel @!p4 .LBB2_21-.Ltmp21, $4  }
0xe6: {  	_ =	swait.ge [sflag:s0], $0x4000  }
0xe7: {  	[sflag:s0] =	ssyncset.done $0x0  }
0xe8: {  	p5 =	por $0x0, $0x0;
	[sflag:s0] =	ssyncadd.s32 $0xFFFFC000  }
0xe9: {  	_ = 	snop  }
.LBB2_25:
.Ltmp22:
0xea: {  	(pc) =	sbr.rel @!p5 .LBB2_27-.Ltmp22, $2  }
0xeb: {  	_ =	sdelay $0x2  }
0xec: {  	s8 =	sadd.s32 $0x4, s25;
	p4 =	por $0x0, $0x0;
	p3 =	por $0x0, $0x0  }
.LBB2_26:
0xed: {  	s0 =	simm.s32 $0x5  }
0xee: {  	_ =	swait.ge [sflag:s0], $0x180  }
0xef: {  	s17 =	simm.s32 $0x800;
	[sflag:s0] =	ssyncset.done $0x0  }
0xf0: {  	s1 =	simm.s32 $0x11880;
	s18 =	simm.s32 $0x9;
	[sflag:s0] =	ssyncadd.s32 $0xFFFFFE80  }
0xf1: {  	[tilespmem:s1], [sflag:$0xB] =	stream.indirect.gather [hbm4b:s4+s28], $0x80, s17, s28, $0xb8;
	[tilespmem:$0x19880] =	vst v63  }
0xf2: {  	_ =	swait.ge [sflag:s18], $0x4000  }
.Ltmp23:
0xf3: {  	s25 =	simm.s32 $0x9880;
	[sflag:s18] =	ssyncset.done $0x0;
	(pc) =	sbr.rel .LBB2_27-.Ltmp23, $4  }
0xf4: {  	s31 =	simm.s32 $0x480;
	p3 =	por $0x1, $0x1;
	[sflag:s18] =	ssyncadd.s32 $0xFFFFC000  }
0xf5: {  	[tilespmem:s25], [sflag:$0xF] =	stream.indirect.gather.add.f32 [spmem:s2], $0x80, s31, s28, $0xb8;
	[tilespmem:$0x19880] =	vst v63  }
0xf6: {  	p4 =	por p2, p2;
	s1 =	simm.s32 $0x9880;
	s17 =	simm.s32 $0x500  }
0xf7: {  	[tilespmem:s25], [sflag:$0x15] =	stream.indirect.gather.add.f32 [spmem:s2], $0x80, s17, s28, $0xb8;
	[tilespmem:$0x19880] =	vst v63  }
.LBB2_24:
0xf8: {  	p3 =	por $0x0, $0x0;
	p4 =	por $0x1, $0x1;
	s8 =	smov.u32 s19  }
.LBB2_27:
0xf9: {  	_ =	swait.ge [sflag:s23], $0x4000  }
0xfa: {  	[sflag:s23] =	ssyncset.done $0x0  }
.Ltmp24:
0xfb: {  	[sflag:s23] =	ssyncadd.s32 $0xFFFFC000;
	(pc) =	sbr.rel @p3 .LBB2_28-.Ltmp24, $4  }
0xfc: {  	_ =	swait.ge [sflag:s12], $0x4000  }
0xfd: {  	[sflag:s12] =	ssyncset.done $0x0  }
0xfe: {  	[sflag:s12] =	ssyncadd.s32 $0xFFFFC000  }
0xff: {  	[hbm4b:s24+s3] =	stream.linear.scatter [tilespmem:s29], [sflag:$0x19], $0x4000, $0x38;
	[tilespmem:$0x19880] =	vst v63  }
.Ltmp25:
0x100: {  	(pc) =	sbr.rel .LBB2_29-.Ltmp25, $4  }
0x101: {  	s0 =	simm.s32 @p4 $0x1E  }
0x102: {  	_ =	swait.ge @p4 [sflag:s0], $0x4000  }
0x103: {  	[sflag:s0] =	ssyncset.done @p4 $0x0  }
0x104: {  	[sflag:s0] =	ssyncadd.s32 @p4 $0xFFFFC000  }
.LBB2_19:
.Ltmp26:
0x105: {  	(pc) =	sbr.rel @!p4 .LBB2_21-.Ltmp26, $4  }
.Ltmp27:
0x106: {  	(pc) =	sbr.rel @p4 .LBB2_20-.Ltmp27, $4  }
0x107: {  	_ = 	snop  }
0x108: {  	_ = 	snop  }
0x109: {  	p5 =	por $0x0, $0x0  }
0x10a: {  	_ = 	snop  }
.LBB2_31:
0x10b: {  	_ =	sfence.sel $0x180000  }
0x10c: {  	[bflag:$0x0] =	sbarrier.arrive $0xFFFF  }
0x10d: {  	_ =	strace $0x90000047  }
0x10e: {  	[bflag:$0x2] =	sbarrier.arrive $0xFFFF  }
0x10f: {  	s0 =	rddreg [dreg:$0x3]  }
0x110: {  	s0 =	sadd.s32 @!p0 $0x100000, s0  }
0x111: {  	[sflag:s0] =	ssyncadd.tile.s32 @!p0 $0x1;
	_ =	shalt  }
.Lfunc_end2:
_tile_overlayer_lowered:
.L_overlay_start_2:
0x112: {  	(tag) =	ssettag $0x2  }
0x113: {  	s0 =	rddreg [dreg:$0x0];
	s2 =	stileid.u32  }
0x114: {  	s1 =	rddreg [dreg:$0x1];
	p0 =	sne.s32 s2, $0x0  }
0x115: {  	s3 =	rddreg [dreg:$0x2];
	[bflag:$0x3] =	sbarrier.arrive $0xFFFF;
	s2 =	simm.s32 @!p0 $0x1C1F  }
0x116: {  	[timem:s3], [sflag:s2] =	dma.local @!p0 [hbm:s0], s1  }
0x117: {  	s0 =	simm.s32 @!p0 $0x1F  }
0x118: {  	_ =	swait.ge @!p0 [sflag:s0], s1  }
0x119: {  	s1 =	ssub.s32 @!p0 $0x0, s1;
	[sflag:s0] =	ssyncset.done @!p0 $0x0  }
0x11a: {  	[sflag:s0] =	ssyncadd.s32 @!p0 s1  }
0x11b: {  	[bflag:$0x3] =	sbarrier.arrive $0xFFFF  }
0x11c: {  	_ =	shalt  }

</sc_bundles>
